<compile_context>
chip_gen: v7x
topology: tpu7x:2x2x1
jax: 0.10.2.dev20260603
libtpu: 0.0.44.dev20260713+nightly
codegen_flags: <defaults>
</compile_context>

<pallas_src>
import functools

import jax
import jax.numpy as jnp
from jax import lax
from jax.experimental import pallas as pl
from jax.experimental.pallas import tpu as pltpu
from jax.experimental.pallas import tpu_sc as plsc

_RADIUS = 0.2
_NSAMPLE = 32
_R2 = _RADIUS * _RADIUS

_NC, _NS, _L = 2, 16, 16
_NW = _NC * _NS
_SBW = 128
_SBP = _SBW * 4


def _mask_body(q_ref, p4_ref, m_ref):
    q = q_ref[0]
    qx, qy, qz = q[:, 0], q[:, 1], q[:, 2]
    sq_q = qx * qx + qy * qy + qz * qz
    w = None
    for c in range(4):
        p = p4_ref[0, c]
        px, py, pz = p[0], p[1], p[2]
        sq_p = px * px + py * py + pz * pz
        mm = lax.dot_general(q, p, (((1,), (0,)), ((), ())),
                             preferred_element_type=jnp.float32)
        dist2 = (sq_q[:, None] + sq_p[None, :]) - 2.0 * mm
        m = (dist2 <= jnp.float32(_R2)).astype(jnp.int32)
        w = m if w is None else w | (m << (8 * c))
    m_ref[0] = w


def _compute_mask_words(xyz, new_xyz):
    B, N, _ = xyz.shape
    K = new_xyz.shape[1]
    TK, TNW = K, 512
    p4 = xyz.reshape(B, N // 4, 4, 3).transpose(0, 2, 3, 1)
    return pl.pallas_call(
        _mask_body,
        grid=(B, N // 4 // TNW),
        in_specs=[
            pl.BlockSpec((1, TK, 3), lambda b, n: (b, 0, 0)),
            pl.BlockSpec((1, 4, 3, TNW), lambda b, n: (b, 0, 0, n)),
        ],
        out_specs=pl.BlockSpec((1, TK, TNW), lambda b, n: (b, 0, n)),
        out_shape=jax.ShapeDtypeStruct((B, K, N // 4), jnp.int32),
    )(new_xyz, p4)


def _sc_group(xyz_rows, q_flat, mask_words, B, N, K):
    NQ = B * K
    QPW = NQ // _NW
    WPB = K // QPW
    NSB = N // _SBP

    mesh = plsc.VectorSubcoreMesh(core_axis_name="c", subcore_axis_name="s",
                                  num_cores=_NC, num_subcores=_NS)

    @functools.partial(
        pl.kernel,
        out_type=jax.ShapeDtypeStruct((B * 3 * K, _NSAMPLE), jnp.float32),
        mesh=mesh,
        compiler_params=pltpu.CompilerParams(needs_layout_passes=False),
        scratch_types=[
            pltpu.VMEM((N,), jnp.float32),
            pltpu.VMEM((N,), jnp.float32),
            pltpu.VMEM((N,), jnp.float32),
            pltpu.VMEM((QPW * 3,), jnp.float32),
            pltpu.VMEM((_SBW,), jnp.int32),
            pltpu.VMEM((_SBP + _NSAMPLE,), jnp.int32),
            pltpu.VMEM((3, QPW, _NSAMPLE), jnp.float32),
            pltpu.SMEM((1,), jnp.int32),
        ],
    )
    def grouped(xyz_hbm, q_hbm, mw_hbm, out_hbm, px, py, pz, qv, mbuf, idxb,
                outv, cnt_ref):
        wid = lax.axis_index("s") * _NC + lax.axis_index("c")
        b = wid // WPB
        kof = (wid % WPB) * QPW
        pltpu.sync_copy(xyz_hbm.at[b * 3 + 0], px)
        pltpu.sync_copy(xyz_hbm.at[b * 3 + 1], py)
        pltpu.sync_copy(xyz_hbm.at[b * 3 + 2], pz)
        pltpu.sync_copy(q_hbm.at[pl.ds(wid * QPW * 3, QPW * 3)], qv)

        lane = lax.iota(jnp.int32, _L)
        lane4 = lane * 4
        zeros16 = jnp.zeros((_L,), jnp.int32)

        def per_query(j, carry):
            qg = wid * QPW + j
            cnt_ref[0] = 0
            idxb[pl.ds(0, _L)] = zeros16
            idxb[pl.ds(_L, _L)] = zeros16

            def sb_body(sb, c2):
                @pl.when(cnt_ref[0] < _NSAMPLE)
                def _():
                    pltpu.sync_copy(mw_hbm.at[qg, sb], mbuf)
                    sbase = sb * _SBP

                    def blk(i, cnt):
                        w = mbuf[pl.ds(i * _L, _L)]
                        b0 = w & 1
                        b1 = (w >> 8) & 1
                        b2 = (w >> 16) & 1
                        b3 = (w >> 24) & 1
                        t = (b0 + b1) + (b2 + b3)
                        s = plsc.cumsum(t)
                        base = cnt + (s - t)
                        vb = sbase + i * (4 * _L) + lane4
                        plsc.store_scatter(idxb, [base], vb, mask=b0 > 0)
                        run = b0
                        plsc.store_scatter(idxb, [base + run], vb + 1,
                                           mask=b1 > 0)
                        run = run + b1
                        plsc.store_scatter(idxb, [base + run], vb + 2,
                                           mask=b2 > 0)
                        run = run + b2
                        plsc.store_scatter(idxb, [base + run], vb + 3,
                                           mask=b3 > 0)
                        return cnt + s[_L - 1]

                    cnt_ref[0] = lax.fori_loop(0, _SBP // (4 * _L), blk,
                                               cnt_ref[0])
                return c2

            lax.fori_loop(0, NSB, sb_body, jnp.int32(0))
            cnt = cnt_ref[0]

            v0 = idxb[pl.ds(0, _L)]
            v1 = idxb[pl.ds(_L, _L)]
            firstv = plsc.load_gather(idxb, [zeros16])
            i0 = jnp.where(lane < cnt, v0, firstv)
            i1 = jnp.where(lane + _L < cnt, v1, firstv)
            r = jnp.float32(_RADIUS)
            for c, prow in enumerate((px, py, pz)):
                qc = plsc.load_gather(qv, [jnp.full((_L,), j * 3 + c,
                                                    jnp.int32)])
                g0 = plsc.load_gather(prow, [i0])
                g1 = plsc.load_gather(prow, [i1])
                outv[c, j, pl.ds(0, _L)] = (g0 - qc) / r
                outv[c, j, pl.ds(_L, _L)] = (g1 - qc) / r
            return carry

        lax.fori_loop(0, QPW, per_query, jnp.int32(0))

        for c in range(3):
            pltpu.sync_copy(
                outv.at[c], out_hbm.at[pl.ds(b * 3 * K + c * K + kof, QPW)])

    return grouped(xyz_rows, q_flat, mask_words)


def kernel(xyz, new_xyz, features):
    B, N, _ = xyz.shape
    K = new_xyz.shape[1]
    mask_words = _compute_mask_words(xyz, new_xyz)
    mw = mask_words.reshape(B * K, N // 4 // _SBW, _SBW)
    xyz_rows = jnp.transpose(xyz, (0, 2, 1)).reshape(B * 3, N)
    q_flat = new_xyz.reshape(-1)
    out_flat = _sc_group(xyz_rows, q_flat, mw, B, N, K)
    out = out_flat.reshape(B, 3, K, _NSAMPLE)
    return (out, out)

# --- scband reference (transcript-rebuilt; emitter-appended) ---
"""Pipeline reference for scband-query-and-group-22625887715918 (READ-ONLY COPY).

The authoritative reference and input builder live on the scoring server;
editing this copy changes nothing except your own understanding.
"""

import jax, jax.numpy as jnp
import numpy as np

RADIUS = 0.2
NSAMPLE = 32
NORMALIZE_DP = True


def setup_inputs(seed: int = 0) -> dict:
    key = jax.random.key(seed)
    k1, k2, k3 = jax.random.split(key, 3)
    xyz = jax.random.uniform(k1, (4, 8192, 3), dtype=jnp.float32)
    new_xyz = jax.random.uniform(k2, (4, 1024, 3), dtype=jnp.float32)
    features = jax.random.normal(k3, (4, 256, 8192), dtype=jnp.float32)
    return {"xyz": xyz, "new_xyz": new_xyz, "features": features}


def ball_query(radius, nsample, xyz, new_xyz):
    # xyz: (B, N, 3), new_xyz: (B, K, 3) -> indices (B, K, nsample) int32
    B, N, _ = xyz.shape
    # squared pairwise distances via expansion (matmul-heavy, compute bound)
    sq_q = jnp.sum(new_xyz * new_xyz, axis=-1)[:, :, None]  # (B, K, 1)
    sq_p = jnp.sum(xyz * xyz, axis=-1)[:, None, :]          # (B, 1, N)
    dist2 = sq_q + sq_p - 2.0 * jnp.einsum('bqd,bnd->bqn', new_xyz, xyz)  # (B, K, N)
    mask = dist2 <= radius * radius
    # CUDA ball_query semantics: take first nsample in-index-order points within radius,
    # padding with the first valid index when fewer than nsample are found.
    cand = jnp.where(mask, jnp.arange(N, dtype=jnp.int32)[None, None, :], jnp.int32(N))
    cand = jnp.sort(cand, axis=-1)[..., :nsample]  # (B, K, nsample)
    first = cand[..., :1]
    first = jnp.where(first == N, jnp.int32(0), first)  # guard empty balls
    idx = jnp.where(cand == N, first, cand)
    return idx.astype(jnp.int32)


def group_points(features, indices):
    # features: (B, C, N), indices: (B, K, nsample) -> (B, C, K, nsample)
    def per_batch(f, idx):
        return f[:, idx]  # gather: (C, K, nsample)
    return jax.vmap(per_batch)(features, indices)


def reference(xyz, new_xyz, features):
    idx = ball_query(RADIUS, NSAMPLE, xyz, new_xyz)
    xyz_trans = jnp.transpose(xyz, (0, 2, 1))  # (B, 3, N)
    grouped_xyz = group_points(xyz_trans, idx)  # (B, 3, K, nsample)
    grouped_xyz = grouped_xyz - jnp.transpose(new_xyz, (0, 2, 1))[..., None]
    if NORMALIZE_DP:
        grouped_xyz = grouped_xyz / RADIUS
    # faithful to source: grouped_features is computed but forward returns grouped_xyz twice
    grouped_features = group_points(features, idx)
    return (grouped_xyz, grouped_xyz)

if __name__ == "__main__":
    import jax
    _d = setup_inputs()
    print(jax.jit(kernel)(*tuple(_d.values())))

</pallas_src>

<mosaic_0001>
#map = affine_map<(d0, d1) -> (0, 0)>
#map1 = affine_map<(d0, d1) -> (0)>
#map2 = affine_map<(d0, d1) -> (0, 0, 0)>
module attributes {stable_mosaic.version = 14 : i64} {
  func.func @grouped(%arg0: i32, %arg1: i32, %arg2: memref<12x8192xf32, #tpu.memory_space<hbm>>, %arg3: memref<12288xf32, #tpu.memory_space<hbm>>, %arg4: memref<4096x16x128xi32, #tpu.memory_space<hbm>>, %arg5: memref<12288x32xf32, #tpu.memory_space<hbm>>, %arg6: memref<8192xf32, #tpu.memory_space<vmem>>, %arg7: memref<8192xf32, #tpu.memory_space<vmem>>, %arg8: memref<8192xf32, #tpu.memory_space<vmem>>, %arg9: memref<384xf32, #tpu.memory_space<vmem>>, %arg10: memref<128xi32, #tpu.memory_space<vmem>>, %arg11: memref<544xi32, #tpu.memory_space<vmem>>, %arg12: memref<3x128x32xf32, #tpu.memory_space<vmem>>, %arg13: memref<1xi32, #tpu.memory_space<smem>>) attributes {dimension_semantics = [#tpu.dimension_semantics<core_parallel>, #tpu.dimension_semantics<subcore_parallel>], iteration_bounds = array<i64: 2, 16>, scalar_prefetch = 0 : i64, scratch_operands = 8 : i64, tpu.core_type = #tpu.core_type<sc_vector_subcore>, window_params = [{transform_indices = #map}, {transform_indices = #map1}, {transform_indices = #map2}, {transform_indices = #map}]} {
    %mul3A = arith.constant 2 : i32
    %mul3A_0 = arith.muli %arg1, %mul3A : i32
    %add3A = arith.addi %mul3A_0, %arg0 : i32
    %jit3A = arith.constant 8 : i32
    %div3A = arith.divsi %add3A, %jit3A : i32
    %sign3A = arith.constant 0 : i32
    %sign3A_1 = arith.cmpi sgt, %add3A, %sign3A : i32
    %sign3A_2 = arith.extui %sign3A_1 : i1 to i32
    %sign3A_3 = arith.constant 0 : i32
    %sign3A_4 = arith.cmpi slt, %add3A, %sign3A_3 : i32
    %sign3A_5 = arith.extui %sign3A_4 : i1 to i32
    %sign3A_6 = arith.subi %sign3A_2, %sign3A_5 : i32
    %sign3A_7 = arith.constant 0 : i32
    %sign3A_8 = arith.cmpi sgt, %jit3A, %sign3A_7 : i32
    %sign3A_9 = arith.extui %sign3A_8 : i1 to i32
    %sign3A_10 = arith.constant 0 : i32
    %sign3A_11 = arith.cmpi slt, %jit3A, %sign3A_10 : i32
    %sign3A_12 = arith.extui %sign3A_11 : i1 to i32
    %sign3A_13 = arith.subi %sign3A_9, %sign3A_12 : i32
    %ne3A = arith.cmpi ne, %sign3A_6, %sign3A_13 : i32
    %rem3A = arith.remsi %add3A, %jit3A : i32
    %ne3A_14 = arith.constant 0 : i32
    %ne3A_15 = arith.cmpi ne, %rem3A, %ne3A_14 : i32
    %and3A = arith.andi %ne3A, %ne3A_15 : i1
    %sub3A = arith.constant 1 : i32
    %sub3A_16 = arith.subi %div3A, %sub3A : i32
    %select_n3A = arith.select %and3A, %sub3A_16, %div3A : i32
    %jit3A_17 = arith.constant 8 : i32
    %eq3A = arith.constant 0 : i32
    %eq3A_18 = arith.cmpi eq, %jit3A_17, %eq3A : i32
    %jit3A_19 = arith.constant 1 : i32
    %select_n3A_20 = arith.select %eq3A_18, %jit3A_19, %jit3A_17 : i32
    %rem3A_21 = arith.remsi %add3A, %select_n3A_20 : i32
    %ne3A_22 = arith.constant 0 : i32
    %ne3A_23 = arith.cmpi ne, %rem3A_21, %ne3A_22 : i32
    %lt3A = arith.constant 0 : i32
    %lt3A_24 = arith.cmpi slt, %rem3A_21, %lt3A : i32
    %lt3A_25 = arith.constant 0 : i32
    %lt3A_26 = arith.cmpi slt, %select_n3A_20, %lt3A_25 : i32
    %ne3A_27 = arith.xori %lt3A_24, %lt3A_26 : i1
    %and3A_28 = arith.andi %ne3A_27, %ne3A_23 : i1
    %add3A_29 = arith.addi %rem3A_21, %select_n3A_20 : i32
    %select_n3A_30 = arith.select %and3A_28, %add3A_29, %rem3A_21 : i32
    %mul3A_31 = arith.constant 128 : i32
    %mul3A_32 = arith.muli %select_n3A_30, %mul3A_31 : i32
    %mul3A_33 = arith.constant 3 : i32
    %mul3A_34 = arith.muli %select_n3A, %mul3A_33 : i32
    %add3A_35 = arith.constant 0 : i32
    %add3A_36 = arith.addi %mul3A_34, %add3A_35 : i32
    "tpu.region"() ({
      %run_scoped3A_81 = tpu.sem_alloc : memref<!tpu.dma_semaphore, #tpu.memory_space<semaphore_mem>>
      %dma_start3A = arith.constant 0 : i32
      %dma_start3A_82 = tpu.memref_slice %arg2[%add3A_36, %dma_start3A] : memref<12x8192xf32, #tpu.memory_space<hbm>> -> memref<1x8192xf32, #tpu.memory_space<hbm>>
      %dma_start3A_83 = tpu.memref_squeeze %dma_start3A_82 : memref<1x8192xf32, #tpu.memory_space<hbm>> -> memref<8192xf32, #tpu.memory_space<hbm>>
      %dma_start3A_84 = arith.constant 0 : i32
      %dma_start3A_85 = tpu.memref_slice %arg2[%add3A_36, %dma_start3A_84] : memref<12x8192xf32, #tpu.memory_space<hbm>> -> memref<1x8192xf32, #tpu.memory_space<hbm>>
      %dma_start3A_86 = tpu.memref_squeeze %dma_start3A_85 : memref<1x8192xf32, #tpu.memory_space<hbm>> -> memref<8192xf32, #tpu.memory_space<hbm>>
      tpu.enqueue_dma source(%dma_start3A_86 : memref<8192xf32, #tpu.memory_space<hbm>>) target(%arg6 : memref<8192xf32, #tpu.memory_space<vmem>>) target_semaphore(%run_scoped3A_81 : memref<!tpu.dma_semaphore, #tpu.memory_space<semaphore_mem>>)
      %dma_wait3A = arith.constant 0 : i32
      %dma_wait3A_87 = tpu.memref_slice %arg2[%add3A_36, %dma_wait3A] : memref<12x8192xf32, #tpu.memory_space<hbm>> -> memref<1x8192xf32, #tpu.memory_space<hbm>>
      %dma_wait3A_88 = tpu.memref_squeeze %dma_wait3A_87 : memref<1x8192xf32, #tpu.memory_space<hbm>> -> memref<8192xf32, #tpu.memory_space<hbm>>
      %dma_wait3A_89 = arith.constant 0 : i32
      %dma_wait3A_90 = tpu.memref_slice %arg2[%add3A_36, %dma_wait3A_89] : memref<12x8192xf32, #tpu.memory_space<hbm>> -> memref<1x8192xf32, #tpu.memory_space<hbm>>
      %dma_wait3A_91 = tpu.memref_squeeze %dma_wait3A_90 : memref<1x8192xf32, #tpu.memory_space<hbm>> -> memref<8192xf32, #tpu.memory_space<hbm>>
      tpu.wait_dma2 semaphore(%run_scoped3A_81 : memref<!tpu.dma_semaphore, #tpu.memory_space<semaphore_mem>>) src(%dma_wait3A_91 : memref<8192xf32, #tpu.memory_space<hbm>>) dst(%arg6 : memref<8192xf32, #tpu.memory_space<vmem>>)
      tpu.yield
    }) : () -> ()
    %mul3A_37 = arith.constant 3 : i32
    %mul3A_38 = arith.muli %select_n3A, %mul3A_37 : i32
    %add3A_39 = arith.constant 1 : i32
    %add3A_40 = arith.addi %mul3A_38, %add3A_39 : i32
    "tpu.region"() ({
      %run_scoped3A_81 = tpu.sem_alloc : memref<!tpu.dma_semaphore, #tpu.memory_space<semaphore_mem>>
      %dma_start3A = arith.constant 0 : i32
      %dma_start3A_82 = tpu.memref_slice %arg2[%add3A_40, %dma_start3A] : memref<12x8192xf32, #tpu.memory_space<hbm>> -> memref<1x8192xf32, #tpu.memory_space<hbm>>
      %dma_start3A_83 = tpu.memref_squeeze %dma_start3A_82 : memref<1x8192xf32, #tpu.memory_space<hbm>> -> memref<8192xf32, #tpu.memory_space<hbm>>
      %dma_start3A_84 = arith.constant 0 : i32
      %dma_start3A_85 = tpu.memref_slice %arg2[%add3A_40, %dma_start3A_84] : memref<12x8192xf32, #tpu.memory_space<hbm>> -> memref<1x8192xf32, #tpu.memory_space<hbm>>
      %dma_start3A_86 = tpu.memref_squeeze %dma_start3A_85 : memref<1x8192xf32, #tpu.memory_space<hbm>> -> memref<8192xf32, #tpu.memory_space<hbm>>
      tpu.enqueue_dma source(%dma_start3A_86 : memref<8192xf32, #tpu.memory_space<hbm>>) target(%arg7 : memref<8192xf32, #tpu.memory_space<vmem>>) target_semaphore(%run_scoped3A_81 : memref<!tpu.dma_semaphore, #tpu.memory_space<semaphore_mem>>)
      %dma_wait3A = arith.constant 0 : i32
      %dma_wait3A_87 = tpu.memref_slice %arg2[%add3A_40, %dma_wait3A] : memref<12x8192xf32, #tpu.memory_space<hbm>> -> memref<1x8192xf32, #tpu.memory_space<hbm>>
      %dma_wait3A_88 = tpu.memref_squeeze %dma_wait3A_87 : memref<1x8192xf32, #tpu.memory_space<hbm>> -> memref<8192xf32, #tpu.memory_space<hbm>>
      %dma_wait3A_89 = arith.constant 0 : i32
      %dma_wait3A_90 = tpu.memref_slice %arg2[%add3A_40, %dma_wait3A_89] : memref<12x8192xf32, #tpu.memory_space<hbm>> -> memref<1x8192xf32, #tpu.memory_space<hbm>>
      %dma_wait3A_91 = tpu.memref_squeeze %dma_wait3A_90 : memref<1x8192xf32, #tpu.memory_space<hbm>> -> memref<8192xf32, #tpu.memory_space<hbm>>
      tpu.wait_dma2 semaphore(%run_scoped3A_81 : memref<!tpu.dma_semaphore, #tpu.memory_space<semaphore_mem>>) src(%dma_wait3A_91 : memref<8192xf32, #tpu.memory_space<hbm>>) dst(%arg7 : memref<8192xf32, #tpu.memory_space<vmem>>)
      tpu.yield
    }) : () -> ()
    %mul3A_41 = arith.constant 3 : i32
    %mul3A_42 = arith.muli %select_n3A, %mul3A_41 : i32
    %add3A_43 = arith.constant 2 : i32
    %add3A_44 = arith.addi %mul3A_42, %add3A_43 : i32
    "tpu.region"() ({
      %run_scoped3A_81 = tpu.sem_alloc : memref<!tpu.dma_semaphore, #tpu.memory_space<semaphore_mem>>
      %dma_start3A = arith.constant 0 : i32
      %dma_start3A_82 = tpu.memref_slice %arg2[%add3A_44, %dma_start3A] : memref<12x8192xf32, #tpu.memory_space<hbm>> -> memref<1x8192xf32, #tpu.memory_space<hbm>>
      %dma_start3A_83 = tpu.memref_squeeze %dma_start3A_82 : memref<1x8192xf32, #tpu.memory_space<hbm>> -> memref<8192xf32, #tpu.memory_space<hbm>>
      %dma_start3A_84 = arith.constant 0 : i32
      %dma_start3A_85 = tpu.memref_slice %arg2[%add3A_44, %dma_start3A_84] : memref<12x8192xf32, #tpu.memory_space<hbm>> -> memref<1x8192xf32, #tpu.memory_space<hbm>>
      %dma_start3A_86 = tpu.memref_squeeze %dma_start3A_85 : memref<1x8192xf32, #tpu.memory_space<hbm>> -> memref<8192xf32, #tpu.memory_space<hbm>>
      tpu.enqueue_dma source(%dma_start3A_86 : memref<8192xf32, #tpu.memory_space<hbm>>) target(%arg8 : memref<8192xf32, #tpu.memory_space<vmem>>) target_semaphore(%run_scoped3A_81 : memref<!tpu.dma_semaphore, #tpu.memory_space<semaphore_mem>>)
      %dma_wait3A = arith.constant 0 : i32
      %dma_wait3A_87 = tpu.memref_slice %arg2[%add3A_44, %dma_wait3A] : memref<12x8192xf32, #tpu.memory_space<hbm>> -> memref<1x8192xf32, #tpu.memory_space<hbm>>
      %dma_wait3A_88 = tpu.memref_squeeze %dma_wait3A_87 : memref<1x8192xf32, #tpu.memory_space<hbm>> -> memref<8192xf32, #tpu.memory_space<hbm>>
      %dma_wait3A_89 = arith.constant 0 : i32
      %dma_wait3A_90 = tpu.memref_slice %arg2[%add3A_44, %dma_wait3A_89] : memref<12x8192xf32, #tpu.memory_space<hbm>> -> memref<1x8192xf32, #tpu.memory_space<hbm>>
      %dma_wait3A_91 = tpu.memref_squeeze %dma_wait3A_90 : memref<1x8192xf32, #tpu.memory_space<hbm>> -> memref<8192xf32, #tpu.memory_space<hbm>>
      tpu.wait_dma2 semaphore(%run_scoped3A_81 : memref<!tpu.dma_semaphore, #tpu.memory_space<semaphore_mem>>) src(%dma_wait3A_91 : memref<8192xf32, #tpu.memory_space<hbm>>) dst(%arg8 : memref<8192xf32, #tpu.memory_space<vmem>>)
      tpu.yield
    }) : () -> ()
    %mul3A_45 = arith.constant 128 : i32
    %mul3A_46 = arith.muli %add3A, %mul3A_45 : i32
    %mul3A_47 = arith.constant 3 : i32
    %mul3A_48 = arith.muli %mul3A_46, %mul3A_47 : i32
    "tpu.region"() ({
      %run_scoped3A_81 = tpu.sem_alloc : memref<!tpu.dma_semaphore, #tpu.memory_space<semaphore_mem>>
      %dma_start3A = tpu.memref_slice %arg3[%mul3A_48] : memref<12288xf32, #tpu.memory_space<hbm>> -> memref<384xf32, #tpu.memory_space<hbm>>
      %dma_start3A_82 = tpu.memref_slice %arg3[%mul3A_48] : memref<12288xf32, #tpu.memory_space<hbm>> -> memref<384xf32, #tpu.memory_space<hbm>>
      tpu.enqueue_dma source(%dma_start3A_82 : memref<384xf32, #tpu.memory_space<hbm>>) target(%arg9 : memref<384xf32, #tpu.memory_space<vmem>>) target_semaphore(%run_scoped3A_81 : memref<!tpu.dma_semaphore, #tpu.memory_space<semaphore_mem>>)
      %dma_wait3A = tpu.memref_slice %arg3[%mul3A_48] : memref<12288xf32, #tpu.memory_space<hbm>> -> memref<384xf32, #tpu.memory_space<hbm>>
      %dma_wait3A_83 = tpu.memref_slice %arg3[%mul3A_48] : memref<12288xf32, #tpu.memory_space<hbm>> -> memref<384xf32, #tpu.memory_space<hbm>>
      tpu.wait_dma2 semaphore(%run_scoped3A_81 : memref<!tpu.dma_semaphore, #tpu.memory_space<semaphore_mem>>) src(%dma_wait3A_83 : memref<384xf32, #tpu.memory_space<hbm>>) dst(%arg9 : memref<384xf32, #tpu.memory_space<vmem>>)
      tpu.yield
    }) : () -> ()
    %iota3A = tpu.iota {dimensions = array<i32: 0>} : vector<16xi32>
    %mul3A_49 = arith.constant 4 : i32
    %mul3A_50 = vector.broadcast %mul3A_49 : i32 to vector<16xi32>
    %mul3A_51 = arith.muli %iota3A, %mul3A_50 : vector<16xi32>
    %broadcast_in_dim3A = arith.constant 0 : i32
    %broadcast_in_dim3A_52 = vector.broadcast %broadcast_in_dim3A : i32 to vector<16xi32>
    %scan3A = arith.constant 0 : i32
    %scan3A_53 = arith.constant 0 : i32
    %scan3A_54 = arith.constant 128 : i32
    %scan3A_55 = arith.addi %scan3A_53, %scan3A_54 : i32
    %scan3A_56 = arith.constant 1 : i32
    scf.for %scan3A_81 = %scan3A_53 to %scan3A_55 step %scan3A_56  : i32 {
      %mul3A_82 = arith.constant 128 : i32
      %mul3A_83 = arith.muli %add3A, %mul3A_82 : i32
      %add3A_84 = arith.addi %mul3A_83, %scan3A_81 : i32
      %swap3A = arith.constant 0 : i32
      %swap3A_85 = arith.constant 0 : i32
      %swap3A_86 = arith.index_cast %swap3A_85 : i32 to index
      %swap3A_87 = memref.load %arg13[%swap3A_86] : memref<1xi32, #tpu.memory_space<smem>>
      memref.store %swap3A, %arg13[%swap3A_86] : memref<1xi32, #tpu.memory_space<smem>>
      %swap3A_88 = arith.constant 0 : index
      %swap3A_89 = tpu.vector_load %arg11[%swap3A_88] {strides = array<i32>} : memref<544xi32, #tpu.memory_space<vmem>>, vector<16xi32>,
      tpu.vector_store %arg11[%swap3A_88], %broadcast_in_dim3A_52 {strides = array<i32>} : memref<544xi32, #tpu.memory_space<vmem>>, vector<16xi32>,
      %swap3A_90 = arith.constant 16 : index
      %swap3A_91 = tpu.vector_load %arg11[%swap3A_90] {strides = array<i32>} : memref<544xi32, #tpu.memory_space<vmem>>, vector<16xi32>,
      tpu.vector_store %arg11[%swap3A_90], %broadcast_in_dim3A_52 {strides = array<i32>} : memref<544xi32, #tpu.memory_space<vmem>>, vector<16xi32>,
      %scan3A_92 = arith.constant 0 : i32
      %scan3A_93 = arith.constant 0 : i32
      %scan3A_94 = arith.constant 16 : i32
      %scan3A_95 = arith.addi %scan3A_93, %scan3A_94 : i32
      %scan3A_96 = arith.constant 1 : i32
      scf.for %scan3A_191 = %scan3A_93 to %scan3A_95 step %scan3A_96  : i32 {
        %get3A_192 = arith.constant 0 : i32
        %get3A_193 = arith.index_cast %get3A_192 : i32 to index
        %get3A_194 = memref.load %arg13[%get3A_193] : memref<1xi32, #tpu.memory_space<smem>>
        %lt3A_195 = arith.constant 32 : i32
        %lt3A_196 = arith.cmpi slt, %get3A_194, %lt3A_195 : i32
        %convert_element_type3A = arith.extui %lt3A_196 : i1 to i32
        %cond3A = arith.constant 0 : i32
        %cond3A_197 = arith.cmpi ne, %convert_element_type3A, %cond3A : i32
        scf.if %cond3A_197 {
          "tpu.region"() ({
            %run_scoped3A_212 = tpu.sem_alloc : memref<!tpu.dma_semaphore, #tpu.memory_space<semaphore_mem>>
            %dma_start3A = arith.constant 0 : i32
            %dma_start3A_213 = tpu.memref_slice %arg4[%add3A_84, %scan3A_191, %dma_start3A] : memref<4096x16x128xi32, #tpu.memory_space<hbm>> -> memref<1x1x128xi32, #tpu.memory_space<hbm>>
            %dma_start3A_214 = tpu.memref_squeeze %dma_start3A_213 : memref<1x1x128xi32, #tpu.memory_space<hbm>> -> memref<128xi32, #tpu.memory_space<hbm>>
            %dma_start3A_215 = arith.constant 0 : i32
            %dma_start3A_216 = tpu.memref_slice %arg4[%add3A_84, %scan3A_191, %dma_start3A_215] : memref<4096x16x128xi32, #tpu.memory_space<hbm>> -> memref<1x1x128xi32, #tpu.memory_space<hbm>>
            %dma_start3A_217 = tpu.memref_squeeze %dma_start3A_216 : memref<1x1x128xi32, #tpu.memory_space<hbm>> -> memref<128xi32, #tpu.memory_space<hbm>>
            tpu.enqueue_dma source(%dma_start3A_217 : memref<128xi32, #tpu.memory_space<hbm>>) target(%arg10 : memref<128xi32, #tpu.memory_space<vmem>>) target_semaphore(%run_scoped3A_212 : memref<!tpu.dma_semaphore, #tpu.memory_space<semaphore_mem>>)
            %dma_wait3A = arith.constant 0 : i32
            %dma_wait3A_218 = tpu.memref_slice %arg4[%add3A_84, %scan3A_191, %dma_wait3A] : memref<4096x16x128xi32, #tpu.memory_space<hbm>> -> memref<1x1x128xi32, #tpu.memory_space<hbm>>
            %dma_wait3A_219 = tpu.memref_squeeze %dma_wait3A_218 : memref<1x1x128xi32, #tpu.memory_space<hbm>> -> memref<128xi32, #tpu.memory_space<hbm>>
            %dma_wait3A_220 = arith.constant 0 : i32
            %dma_wait3A_221 = tpu.memref_slice %arg4[%add3A_84, %scan3A_191, %dma_wait3A_220] : memref<4096x16x128xi32, #tpu.memory_space<hbm>> -> memref<1x1x128xi32, #tpu.memory_space<hbm>>
            %dma_wait3A_222 = tpu.memref_squeeze %dma_wait3A_221 : memref<1x1x128xi32, #tpu.memory_space<hbm>> -> memref<128xi32, #tpu.memory_space<hbm>>
            tpu.wait_dma2 semaphore(%run_scoped3A_212 : memref<!tpu.dma_semaphore, #tpu.memory_space<semaphore_mem>>) src(%dma_wait3A_222 : memref<128xi32, #tpu.memory_space<hbm>>) dst(%arg10 : memref<128xi32, #tpu.memory_space<vmem>>)
            tpu.yield
          }) : () -> ()
          %mul3A_198 = arith.constant 512 : i32
          %mul3A_199 = arith.muli %scan3A_191, %mul3A_198 : i32
          %get3A_200 = arith.constant 0 : i32
          %get3A_201 = arith.index_cast %get3A_200 : i32 to index
          %get3A_202 = memref.load %arg13[%get3A_201] : memref<1xi32, #tpu.memory_space<smem>>
          %scan3A_203 = arith.constant 0 : i32
          %scan3A_204 = arith.constant 8 : i32
          %scan3A_205 = arith.addi %scan3A_203, %scan3A_204 : i32
          %scan3A_206 = arith.constant 1 : i32
          %scan3A_207 = scf.for %scan3A_212 = %scan3A_203 to %scan3A_205 step %scan3A_206 iter_args(%scan3A_213 = %get3A_202) -> (i32)  : i32 {
            %mul3A_214 = arith.constant 16 : i32
            %mul3A_215 = arith.muli %scan3A_212, %mul3A_214 : i32
            %get3A_216 = arith.index_cast %mul3A_215 : i32 to index
            %get3A_217 = tpu.vector_load %arg10[%get3A_216] {strides = array<i32>} : memref<128xi32, #tpu.memory_space<vmem>>, vector<16xi32>,
            %and3A_218 = arith.constant 1 : i32
            %and3A_219 = vector.broadcast %and3A_218 : i32 to vector<16xi32>
            %and3A_220 = arith.andi %get3A_217, %and3A_219 : vector<16xi32>
            %shift_right_arithmetic3A = arith.constant 8 : i32
            %shift_right_arithmetic3A_221 = vector.broadcast %shift_right_arithmetic3A : i32 to vector<16xi32>
            %shift_right_arithmetic3A_222 = arith.shrsi %get3A_217, %shift_right_arithmetic3A_221 : vector<16xi32>
            %and3A_223 = arith.constant 1 : i32
            %and3A_224 = vector.broadcast %and3A_223 : i32 to vector<16xi32>
            %and3A_225 = arith.andi %shift_right_arithmetic3A_222, %and3A_224 : vector<16xi32>
            %shift_right_arithmetic3A_226 = arith.constant 16 : i32
            %shift_right_arithmetic3A_227 = vector.broadcast %shift_right_arithmetic3A_226 : i32 to vector<16xi32>
            %shift_right_arithmetic3A_228 = arith.shrsi %get3A_217, %shift_right_arithmetic3A_227 : vector<16xi32>
            %and3A_229 = arith.constant 1 : i32
            %and3A_230 = vector.broadcast %and3A_229 : i32 to vector<16xi32>
            %and3A_231 = arith.andi %shift_right_arithmetic3A_228, %and3A_230 : vector<16xi32>
            %shift_right_arithmetic3A_232 = arith.constant 24 : i32
            %shift_right_arithmetic3A_233 = vector.broadcast %shift_right_arithmetic3A_232 : i32 to vector<16xi32>
            %shift_right_arithmetic3A_234 = arith.shrsi %get3A_217, %shift_right_arithmetic3A_233 : vector<16xi32>
            %and3A_235 = arith.constant 1 : i32
            %and3A_236 = vector.broadcast %and3A_235 : i32 to vector<16xi32>
            %and3A_237 = arith.andi %shift_right_arithmetic3A_234, %and3A_236 : vector<16xi32>
            %add3A_238 = arith.addi %and3A_220, %and3A_225 : vector<16xi32>
            %add3A_239 = arith.addi %and3A_231, %and3A_237 : vector<16xi32>
            %add3A_240 = arith.addi %add3A_238, %add3A_239 : vector<16xi32>
            %broadcast_in_dim3A_241 = arith.constant true
            %broadcast_in_dim3A_242 = vector.broadcast %broadcast_in_dim3A_241 : i1 to vector<16xi1>
            %masked_cumsum3A = tpu.scan <sum>, %add3A_240 masked %broadcast_in_dim3A_242 : vector<16xi32>, vector<16xi1> -> vector<16xi32>
            %sub3A_243 = arith.subi %masked_cumsum3A, %add3A_240 : vector<16xi32>
            %add3A_244 = vector.broadcast %scan3A_213 : i32 to vector<16xi32>
            %add3A_245 = arith.addi %add3A_244, %sub3A_243 : vector<16xi32>
            %mul3A_246 = arith.constant 64 : i32
            %mul3A_247 = arith.muli %scan3A_212, %mul3A_246 : i32
            %add3A_248 = arith.addi %mul3A_199, %mul3A_247 : i32
            %add3A_249 = vector.broadcast %add3A_248 : i32 to vector<16xi32>
            %add3A_250 = arith.addi %add3A_249, %mul3A_51 : vector<16xi32>
            %gt3A = arith.constant 0 : i32
            %gt3A_251 = vector.broadcast %gt3A : i32 to vector<16xi32>
            %gt3A_252 = arith.cmpi sgt, %and3A_220, %gt3A_251 : vector<16xi32>
            tpu.vector_store_idx %arg11[%add3A_245], %add3A_250 masked %gt3A_252 : memref<544xi32, #tpu.memory_space<vmem>>[vector<16xi32>], vector<16xi32>, vector<16xi1>
            %add3A_253 = arith.addi %add3A_245, %and3A_220 : vector<16xi32>
            %add3A_254 = arith.constant 1 : i32
            %add3A_255 = vector.broadcast %add3A_254 : i32 to vector<16xi32>
            %add3A_256 = arith.addi %add3A_250, %add3A_255 : vector<16xi32>
            %gt3A_257 = arith.constant 0 : i32
            %gt3A_258 = vector.broadcast %gt3A_257 : i32 to vector<16xi32>
            %gt3A_259 = arith.cmpi sgt, %and3A_225, %gt3A_258 : vector<16xi32>
            tpu.vector_store_idx %arg11[%add3A_253], %add3A_256 masked %gt3A_259 : memref<544xi32, #tpu.memory_space<vmem>>[vector<16xi32>], vector<16xi32>, vector<16xi1>
            %add3A_260 = arith.addi %and3A_220, %and3A_225 : vector<16xi32>
            %add3A_261 = arith.addi %add3A_245, %add3A_260 : vector<16xi32>
            %add3A_262 = arith.constant 2 : i32
            %add3A_263 = vector.broadcast %add3A_262 : i32 to vector<16xi32>
            %add3A_264 = arith.addi %add3A_250, %add3A_263 : vector<16xi32>
            %gt3A_265 = arith.constant 0 : i32
            %gt3A_266 = vector.broadcast %gt3A_265 : i32 to vector<16xi32>
            %gt3A_267 = arith.cmpi sgt, %and3A_231, %gt3A_266 : vector<16xi32>
            tpu.vector_store_idx %arg11[%add3A_261], %add3A_264 masked %gt3A_267 : memref<544xi32, #tpu.memory_space<vmem>>[vector<16xi32>], vector<16xi32>, vector<16xi1>
            %add3A_268 = arith.addi %add3A_260, %and3A_231 : vector<16xi32>
            %add3A_269 = arith.addi %add3A_245, %add3A_268 : vector<16xi32>
            %add3A_270 = arith.constant 3 : i32
            %add3A_271 = vector.broadcast %add3A_270 : i32 to vector<16xi32>
            %add3A_272 = arith.addi %add3A_250, %add3A_271 : vector<16xi32>
            %gt3A_273 = arith.constant 0 : i32
            %gt3A_274 = vector.broadcast %gt3A_273 : i32 to vector<16xi32>
            %gt3A_275 = arith.cmpi sgt, %and3A_237, %gt3A_274 : vector<16xi32>
            tpu.vector_store_idx %arg11[%add3A_269], %add3A_272 masked %gt3A_275 : memref<544xi32, #tpu.memory_space<vmem>>[vector<16xi32>], vector<16xi32>, vector<16xi1>
            %slice3A = vector.extract_strided_slice %masked_cumsum3A {offsets = [15], sizes = [1], strides = [1]} : vector<16xi32> to vector<1xi32>
            %squeeze3A = vector.extract %slice3A[0] : i32 from vector<1xi32>
            %add3A_276 = arith.addi %scan3A_213, %squeeze3A : i32
            scf.yield %add3A_276 : i32
          }
          %scan3A_208 = arith.constant 8 : i32
          %swap3A_209 = arith.constant 0 : i32
          %swap3A_210 = arith.index_cast %swap3A_209 : i32 to index
          %swap3A_211 = memref.load %arg13[%swap3A_210] : memref<1xi32, #tpu.memory_space<smem>>
          memref.store %scan3A_207, %arg13[%swap3A_210] : memref<1xi32, #tpu.memory_space<smem>>
        } else {
        }
      }
      %scan3A_97 = arith.constant 16 : i32
      %get3A = arith.constant 0 : i32
      %get3A_98 = arith.index_cast %get3A : i32 to index
      %get3A_99 = memref.load %arg13[%get3A_98] : memref<1xi32, #tpu.memory_space<smem>>
      %get3A_100 = arith.constant 0 : index
      %get3A_101 = tpu.vector_load %arg11[%get3A_100] {strides = array<i32>} : memref<544xi32, #tpu.memory_space<vmem>>, vector<16xi32>,
      %get3A_102 = arith.constant 16 : index
      %get3A_103 = tpu.vector_load %arg11[%get3A_102] {strides = array<i32>} : memref<544xi32, #tpu.memory_space<vmem>>, vector<16xi32>,
      %gather3A = tpu.vector_load_idx %arg11[%broadcast_in_dim3A_52] : memref<544xi32, #tpu.memory_space<vmem>>[vector<16xi32>], vector<16xi32>,
      %lt3A_104 = vector.broadcast %get3A_99 : i32 to vector<16xi32>
      %lt3A_105 = arith.cmpi slt, %iota3A, %lt3A_104 : vector<16xi32>
      %select_n3A_106 = arith.select %lt3A_105, %get3A_101, %gather3A : vector<16xi1>, vector<16xi32>
      %add3A_107 = arith.constant 16 : i32
      %add3A_108 = vector.broadcast %add3A_107 : i32 to vector<16xi32>
      %add3A_109 = arith.addi %iota3A, %add3A_108 : vector<16xi32>
      %lt3A_110 = vector.broadcast %get3A_99 : i32 to vector<16xi32>
      %lt3A_111 = arith.cmpi slt, %add3A_109, %lt3A_110 : vector<16xi32>
      %select_n3A_112 = arith.select %lt3A_111, %get3A_103, %gather3A : vector<16xi1>, vector<16xi32>
      %mul3A_113 = arith.constant 3 : i32
      %mul3A_114 = arith.muli %scan3A_81, %mul3A_113 : i32
      %add3A_115 = arith.constant 0 : i32
      %add3A_116 = arith.addi %mul3A_114, %add3A_115 : i32
      %broadcast_in_dim3A_117 = vector.broadcast %add3A_116 : i32 to vector<16xi32>
      %gather3A_118 = tpu.vector_load_idx %arg9[%broadcast_in_dim3A_117] : memref<384xf32, #tpu.memory_space<vmem>>[vector<16xi32>], vector<16xf32>,
      %gather3A_119 = tpu.vector_load_idx %arg6[%select_n3A_106] : memref<8192xf32, #tpu.memory_space<vmem>>[vector<16xi32>], vector<16xf32>,
      %gather3A_120 = tpu.vector_load_idx %arg6[%select_n3A_112] : memref<8192xf32, #tpu.memory_space<vmem>>[vector<16xi32>], vector<16xf32>,
      %sub3A_121 = arith.subf %gather3A_119, %gather3A_118 : vector<16xf32>
      %div3A_122 = arith.constant 2.000000e-01 : f32
      %div3A_123 = vector.broadcast %div3A_122 : f32 to vector<16xf32>
      %div3A_124 = arith.divf %sub3A_121, %div3A_123 : vector<16xf32>
      %swap3A_125 = arith.constant 0 : i32
      %swap3A_126 = arith.index_cast %swap3A_125 : i32 to index
      %swap3A_127 = arith.index_cast %scan3A_81 : i32 to index
      %swap3A_128 = arith.constant 0 : index
      %swap3A_129 = tpu.vector_load %arg12[%swap3A_126, %swap3A_127, %swap3A_128] {strides = array<i32>} : memref<3x128x32xf32, #tpu.memory_space<vmem>>, vector<16xf32>,
      tpu.vector_store %arg12[%swap3A_126, %swap3A_127, %swap3A_128], %div3A_124 {strides = array<i32>} : memref<3x128x32xf32, #tpu.memory_space<vmem>>, vector<16xf32>,
      %sub3A_130 = arith.subf %gather3A_120, %gather3A_118 : vector<16xf32>
      %div3A_131 = arith.constant 2.000000e-01 : f32
      %div3A_132 = vector.broadcast %div3A_131 : f32 to vector<16xf32>
      %div3A_133 = arith.divf %sub3A_130, %div3A_132 : vector<16xf32>
      %swap3A_134 = arith.constant 0 : i32
      %swap3A_135 = arith.index_cast %swap3A_134 : i32 to index
      %swap3A_136 = arith.index_cast %scan3A_81 : i32 to index
      %swap3A_137 = arith.constant 16 : index
      %swap3A_138 = tpu.vector_load %arg12[%swap3A_135, %swap3A_136, %swap3A_137] {strides = array<i32>} : memref<3x128x32xf32, #tpu.memory_space<vmem>>, vector<16xf32>,
      tpu.vector_store %arg12[%swap3A_135, %swap3A_136, %swap3A_137], %div3A_133 {strides = array<i32>} : memref<3x128x32xf32, #tpu.memory_space<vmem>>, vector<16xf32>,
      %mul3A_139 = arith.constant 3 : i32
      %mul3A_140 = arith.muli %scan3A_81, %mul3A_139 : i32
      %add3A_141 = arith.constant 1 : i32
      %add3A_142 = arith.addi %mul3A_140, %add3A_141 : i32
      %broadcast_in_dim3A_143 = vector.broadcast %add3A_142 : i32 to vector<16xi32>
      %gather3A_144 = tpu.vector_load_idx %arg9[%broadcast_in_dim3A_143] : memref<384xf32, #tpu.memory_space<vmem>>[vector<16xi32>], vector<16xf32>,
      %gather3A_145 = tpu.vector_load_idx %arg7[%select_n3A_106] : memref<8192xf32, #tpu.memory_space<vmem>>[vector<16xi32>], vector<16xf32>,
      %gather3A_146 = tpu.vector_load_idx %arg7[%select_n3A_112] : memref<8192xf32, #tpu.memory_space<vmem>>[vector<16xi32>], vector<16xf32>,
      %sub3A_147 = arith.subf %gather3A_145, %gather3A_144 : vector<16xf32>
      %div3A_148 = arith.constant 2.000000e-01 : f32
      %div3A_149 = vector.broadcast %div3A_148 : f32 to vector<16xf32>
      %div3A_150 = arith.divf %sub3A_147, %div3A_149 : vector<16xf32>
      %swap3A_151 = arith.constant 1 : i32
      %swap3A_152 = arith.index_cast %swap3A_151 : i32 to index
      %swap3A_153 = arith.index_cast %scan3A_81 : i32 to index
      %swap3A_154 = arith.constant 0 : index
      %swap3A_155 = tpu.vector_load %arg12[%swap3A_152, %swap3A_153, %swap3A_154] {strides = array<i32>} : memref<3x128x32xf32, #tpu.memory_space<vmem>>, vector<16xf32>,
      tpu.vector_store %arg12[%swap3A_152, %swap3A_153, %swap3A_154], %div3A_150 {strides = array<i32>} : memref<3x128x32xf32, #tpu.memory_space<vmem>>, vector<16xf32>,
      %sub3A_156 = arith.subf %gather3A_146, %gather3A_144 : vector<16xf32>
      %div3A_157 = arith.constant 2.000000e-01 : f32
      %div3A_158 = vector.broadcast %div3A_157 : f32 to vector<16xf32>
      %div3A_159 = arith.divf %sub3A_156, %div3A_158 : vector<16xf32>
      %swap3A_160 = arith.constant 1 : i32
      %swap3A_161 = arith.index_cast %swap3A_160 : i32 to index
      %swap3A_162 = arith.index_cast %scan3A_81 : i32 to index
      %swap3A_163 = arith.constant 16 : index
      %swap3A_164 = tpu.vector_load %arg12[%swap3A_161, %swap3A_162, %swap3A_163] {strides = array<i32>} : memref<3x128x32xf32, #tpu.memory_space<vmem>>, vector<16xf32>,
      tpu.vector_store %arg12[%swap3A_161, %swap3A_162, %swap3A_163], %div3A_159 {strides = array<i32>} : memref<3x128x32xf32, #tpu.memory_space<vmem>>, vector<16xf32>,
      %mul3A_165 = arith.constant 3 : i32
      %mul3A_166 = arith.muli %scan3A_81, %mul3A_165 : i32
      %add3A_167 = arith.constant 2 : i32
      %add3A_168 = arith.addi %mul3A_166, %add3A_167 : i32
      %broadcast_in_dim3A_169 = vector.broadcast %add3A_168 : i32 to vector<16xi32>
      %gather3A_170 = tpu.vector_load_idx %arg9[%broadcast_in_dim3A_169] : memref<384xf32, #tpu.memory_space<vmem>>[vector<16xi32>], vector<16xf32>,
      %gather3A_171 = tpu.vector_load_idx %arg8[%select_n3A_106] : memref<8192xf32, #tpu.memory_space<vmem>>[vector<16xi32>], vector<16xf32>,
      %gather3A_172 = tpu.vector_load_idx %arg8[%select_n3A_112] : memref<8192xf32, #tpu.memory_space<vmem>>[vector<16xi32>], vector<16xf32>,
      %sub3A_173 = arith.subf %gather3A_171, %gather3A_170 : vector<16xf32>
      %div3A_174 = arith.constant 2.000000e-01 : f32
      %div3A_175 = vector.broadcast %div3A_174 : f32 to vector<16xf32>
      %div3A_176 = arith.divf %sub3A_173, %div3A_175 : vector<16xf32>
      %swap3A_177 = arith.constant 2 : i32
      %swap3A_178 = arith.index_cast %swap3A_177 : i32 to index
      %swap3A_179 = arith.index_cast %scan3A_81 : i32 to index
      %swap3A_180 = arith.constant 0 : index
      %swap3A_181 = tpu.vector_load %arg12[%swap3A_178, %swap3A_179, %swap3A_180] {strides = array<i32>} : memref<3x128x32xf32, #tpu.memory_space<vmem>>, vector<16xf32>,
      tpu.vector_store %arg12[%swap3A_178, %swap3A_179, %swap3A_180], %div3A_176 {strides = array<i32>} : memref<3x128x32xf32, #tpu.memory_space<vmem>>, vector<16xf32>,
      %sub3A_182 = arith.subf %gather3A_172, %gather3A_170 : vector<16xf32>
      %div3A_183 = arith.constant 2.000000e-01 : f32
      %div3A_184 = vector.broadcast %div3A_183 : f32 to vector<16xf32>
      %div3A_185 = arith.divf %sub3A_182, %div3A_184 : vector<16xf32>
      %swap3A_186 = arith.constant 2 : i32
      %swap3A_187 = arith.index_cast %swap3A_186 : i32 to index
      %swap3A_188 = arith.index_cast %scan3A_81 : i32 to index
      %swap3A_189 = arith.constant 16 : index
      %swap3A_190 = tpu.vector_load %arg12[%swap3A_187, %swap3A_188, %swap3A_189] {strides = array<i32>} : memref<3x128x32xf32, #tpu.memory_space<vmem>>, vector<16xf32>,
      tpu.vector_store %arg12[%swap3A_187, %swap3A_188, %swap3A_189], %div3A_185 {strides = array<i32>} : memref<3x128x32xf32, #tpu.memory_space<vmem>>, vector<16xf32>,
    }
    %scan3A_57 = arith.constant 128 : i32
    %mul3A_58 = arith.constant 3 : i32
    %mul3A_59 = arith.muli %select_n3A, %mul3A_58 : i32
    %mul3A_60 = arith.constant 1024 : i32
    %mul3A_61 = arith.muli %mul3A_59, %mul3A_60 : i32
    %add3A_62 = arith.constant 0 : i32
    %add3A_63 = arith.addi %mul3A_61, %add3A_62 : i32
    %add3A_64 = arith.addi %add3A_63, %mul3A_32 : i32
    %run_scoped3A = arith.constant 0 : i32
    "tpu.region"() ({
      %run_scoped3A_81 = tpu.sem_alloc : memref<!tpu.dma_semaphore, #tpu.memory_space<semaphore_mem>>
      %dma_start3A = arith.constant 0 : i32
      %dma_start3A_82 = arith.constant 0 : i32
      %dma_start3A_83 = tpu.memref_slice %arg12[%run_scoped3A, %dma_start3A, %dma_start3A_82] : memref<3x128x32xf32, #tpu.memory_space<vmem>> -> memref<1x128x32xf32, #tpu.memory_space<vmem>>
      %dma_start3A_84 = tpu.memref_squeeze %dma_start3A_83 : memref<1x128x32xf32, #tpu.memory_space<vmem>> -> memref<128x32xf32, #tpu.memory_space<vmem>>
      %dma_start3A_85 = arith.constant 0 : i32
      %dma_start3A_86 = tpu.memref_slice %arg5[%add3A_64, %dma_start3A_85] : memref<12288x32xf32, #tpu.memory_space<hbm>> -> memref<128x32xf32, #tpu.memory_space<hbm>>
      %dma_start3A_87 = arith.constant 0 : i32
      %dma_start3A_88 = tpu.memref_slice %arg5[%add3A_64, %dma_start3A_87] : memref<12288x32xf32, #tpu.memory_space<hbm>> -> memref<128x32xf32, #tpu.memory_space<hbm>>
      %dma_start3A_89 = arith.constant 0 : i32
      %dma_start3A_90 = arith.constant 0 : i32
      %dma_start3A_91 = tpu.memref_slice %arg12[%run_scoped3A, %dma_start3A_89, %dma_start3A_90] : memref<3x128x32xf32, #tpu.memory_space<vmem>> -> memref<1x128x32xf32, #tpu.memory_space<vmem>>
      %dma_start3A_92 = tpu.memref_squeeze %dma_start3A_91 : memref<1x128x32xf32, #tpu.memory_space<vmem>> -> memref<128x32xf32, #tpu.memory_space<vmem>>
      tpu.enqueue_dma source(%dma_start3A_92 : memref<128x32xf32, #tpu.memory_space<vmem>>) target(%dma_start3A_88 : memref<128x32xf32, #tpu.memory_space<hbm>>) target_semaphore(%run_scoped3A_81 : memref<!tpu.dma_semaphore, #tpu.memory_space<semaphore_mem>>)
      %dma_wait3A = arith.constant 0 : i32
      %dma_wait3A_93 = arith.constant 0 : i32
      %dma_wait3A_94 = tpu.memref_slice %arg12[%run_scoped3A, %dma_wait3A, %dma_wait3A_93] : memref<3x128x32xf32, #tpu.memory_space<vmem>> -> memref<1x128x32xf32, #tpu.memory_space<vmem>>
      %dma_wait3A_95 = tpu.memref_squeeze %dma_wait3A_94 : memref<1x128x32xf32, #tpu.memory_space<vmem>> -> memref<128x32xf32, #tpu.memory_space<vmem>>
      %dma_wait3A_96 = arith.constant 0 : i32
      %dma_wait3A_97 = tpu.memref_slice %arg5[%add3A_64, %dma_wait3A_96] : memref<12288x32xf32, #tpu.memory_space<hbm>> -> memref<128x32xf32, #tpu.memory_space<hbm>>
      %dma_wait3A_98 = arith.constant 0 : i32
      %dma_wait3A_99 = tpu.memref_slice %arg5[%add3A_64, %dma_wait3A_98] : memref<12288x32xf32, #tpu.memory_space<hbm>> -> memref<128x32xf32, #tpu.memory_space<hbm>>
      %dma_wait3A_100 = arith.constant 0 : i32
      %dma_wait3A_101 = arith.constant 0 : i32
      %dma_wait3A_102 = tpu.memref_slice %arg12[%run_scoped3A, %dma_wait3A_100, %dma_wait3A_101] : memref<3x128x32xf32, #tpu.memory_space<vmem>> -> memref<1x128x32xf32, #tpu.memory_space<vmem>>
      %dma_wait3A_103 = tpu.memref_squeeze %dma_wait3A_102 : memref<1x128x32xf32, #tpu.memory_space<vmem>> -> memref<128x32xf32, #tpu.memory_space<vmem>>
      tpu.wait_dma2 semaphore(%run_scoped3A_81 : memref<!tpu.dma_semaphore, #tpu.memory_space<semaphore_mem>>) src(%dma_wait3A_103 : memref<128x32xf32, #tpu.memory_space<vmem>>) dst(%dma_wait3A_99 : memref<128x32xf32, #tpu.memory_space<hbm>>)
      tpu.yield
    }) : () -> ()
    %mul3A_65 = arith.constant 3 : i32
    %mul3A_66 = arith.muli %select_n3A, %mul3A_65 : i32
    %mul3A_67 = arith.constant 1024 : i32
    %mul3A_68 = arith.muli %mul3A_66, %mul3A_67 : i32
    %add3A_69 = arith.constant 1024 : i32
    %add3A_70 = arith.addi %mul3A_68, %add3A_69 : i32
    %add3A_71 = arith.addi %add3A_70, %mul3A_32 : i32
    %run_scoped3A_72 = arith.constant 1 : i32
    "tpu.region"() ({
      %run_scoped3A_81 = tpu.sem_alloc : memref<!tpu.dma_semaphore, #tpu.memory_space<semaphore_mem>>
      %dma_start3A = arith.constant 0 : i32
      %dma_start3A_82 = arith.constant 0 : i32
      %dma_start3A_83 = tpu.memref_slice %arg12[%run_scoped3A_72, %dma_start3A, %dma_start3A_82] : memref<3x128x32xf32, #tpu.memory_space<vmem>> -> memref<1x128x32xf32, #tpu.memory_space<vmem>>
      %dma_start3A_84 = tpu.memref_squeeze %dma_start3A_83 : memref<1x128x32xf32, #tpu.memory_space<vmem>> -> memref<128x32xf32, #tpu.memory_space<vmem>>
      %dma_start3A_85 = arith.constant 0 : i32
      %dma_start3A_86 = tpu.memref_slice %arg5[%add3A_71, %dma_start3A_85] : memref<12288x32xf32, #tpu.memory_space<hbm>> -> memref<128x32xf32, #tpu.memory_space<hbm>>
      %dma_start3A_87 = arith.constant 0 : i32
      %dma_start3A_88 = tpu.memref_slice %arg5[%add3A_71, %dma_start3A_87] : memref<12288x32xf32, #tpu.memory_space<hbm>> -> memref<128x32xf32, #tpu.memory_space<hbm>>
      %dma_start3A_89 = arith.constant 0 : i32
      %dma_start3A_90 = arith.constant 0 : i32
      %dma_start3A_91 = tpu.memref_slice %arg12[%run_scoped3A_72, %dma_start3A_89, %dma_start3A_90] : memref<3x128x32xf32, #tpu.memory_space<vmem>> -> memref<1x128x32xf32, #tpu.memory_space<vmem>>
      %dma_start3A_92 = tpu.memref_squeeze %dma_start3A_91 : memref<1x128x32xf32, #tpu.memory_space<vmem>> -> memref<128x32xf32, #tpu.memory_space<vmem>>
      tpu.enqueue_dma source(%dma_start3A_92 : memref<128x32xf32, #tpu.memory_space<vmem>>) target(%dma_start3A_88 : memref<128x32xf32, #tpu.memory_space<hbm>>) target_semaphore(%run_scoped3A_81 : memref<!tpu.dma_semaphore, #tpu.memory_space<semaphore_mem>>)
      %dma_wait3A = arith.constant 0 : i32
      %dma_wait3A_93 = arith.constant 0 : i32
      %dma_wait3A_94 = tpu.memref_slice %arg12[%run_scoped3A_72, %dma_wait3A, %dma_wait3A_93] : memref<3x128x32xf32, #tpu.memory_space<vmem>> -> memref<1x128x32xf32, #tpu.memory_space<vmem>>
      %dma_wait3A_95 = tpu.memref_squeeze %dma_wait3A_94 : memref<1x128x32xf32, #tpu.memory_space<vmem>> -> memref<128x32xf32, #tpu.memory_space<vmem>>
      %dma_wait3A_96 = arith.constant 0 : i32
      %dma_wait3A_97 = tpu.memref_slice %arg5[%add3A_71, %dma_wait3A_96] : memref<12288x32xf32, #tpu.memory_space<hbm>> -> memref<128x32xf32, #tpu.memory_space<hbm>>
      %dma_wait3A_98 = arith.constant 0 : i32
      %dma_wait3A_99 = tpu.memref_slice %arg5[%add3A_71, %dma_wait3A_98] : memref<12288x32xf32, #tpu.memory_space<hbm>> -> memref<128x32xf32, #tpu.memory_space<hbm>>
      %dma_wait3A_100 = arith.constant 0 : i32
      %dma_wait3A_101 = arith.constant 0 : i32
      %dma_wait3A_102 = tpu.memref_slice %arg12[%run_scoped3A_72, %dma_wait3A_100, %dma_wait3A_101] : memref<3x128x32xf32, #tpu.memory_space<vmem>> -> memref<1x128x32xf32, #tpu.memory_space<vmem>>
      %dma_wait3A_103 = tpu.memref_squeeze %dma_wait3A_102 : memref<1x128x32xf32, #tpu.memory_space<vmem>> -> memref<128x32xf32, #tpu.memory_space<vmem>>
      tpu.wait_dma2 semaphore(%run_scoped3A_81 : memref<!tpu.dma_semaphore, #tpu.memory_space<semaphore_mem>>) src(%dma_wait3A_103 : memref<128x32xf32, #tpu.memory_space<vmem>>) dst(%dma_wait3A_99 : memref<128x32xf32, #tpu.memory_space<hbm>>)
      tpu.yield
    }) : () -> ()
    %mul3A_73 = arith.constant 3 : i32
    %mul3A_74 = arith.muli %select_n3A, %mul3A_73 : i32
    %mul3A_75 = arith.constant 1024 : i32
    %mul3A_76 = arith.muli %mul3A_74, %mul3A_75 : i32
    %add3A_77 = arith.constant 2048 : i32
    %add3A_78 = arith.addi %mul3A_76, %add3A_77 : i32
    %add3A_79 = arith.addi %add3A_78, %mul3A_32 : i32
    %run_scoped3A_80 = arith.constant 2 : i32
    "tpu.region"() ({
      %run_scoped3A_81 = tpu.sem_alloc : memref<!tpu.dma_semaphore, #tpu.memory_space<semaphore_mem>>
      %dma_start3A = arith.constant 0 : i32
      %dma_start3A_82 = arith.constant 0 : i32
      %dma_start3A_83 = tpu.memref_slice %arg12[%run_scoped3A_80, %dma_start3A, %dma_start3A_82] : memref<3x128x32xf32, #tpu.memory_space<vmem>> -> memref<1x128x32xf32, #tpu.memory_space<vmem>>
      %dma_start3A_84 = tpu.memref_squeeze %dma_start3A_83 : memref<1x128x32xf32, #tpu.memory_space<vmem>> -> memref<128x32xf32, #tpu.memory_space<vmem>>
      %dma_start3A_85 = arith.constant 0 : i32
      %dma_start3A_86 = tpu.memref_slice %arg5[%add3A_79, %dma_start3A_85] : memref<12288x32xf32, #tpu.memory_space<hbm>> -> memref<128x32xf32, #tpu.memory_space<hbm>>
      %dma_start3A_87 = arith.constant 0 : i32
      %dma_start3A_88 = tpu.memref_slice %arg5[%add3A_79, %dma_start3A_87] : memref<12288x32xf32, #tpu.memory_space<hbm>> -> memref<128x32xf32, #tpu.memory_space<hbm>>
      %dma_start3A_89 = arith.constant 0 : i32
      %dma_start3A_90 = arith.constant 0 : i32
      %dma_start3A_91 = tpu.memref_slice %arg12[%run_scoped3A_80, %dma_start3A_89, %dma_start3A_90] : memref<3x128x32xf32, #tpu.memory_space<vmem>> -> memref<1x128x32xf32, #tpu.memory_space<vmem>>
      %dma_start3A_92 = tpu.memref_squeeze %dma_start3A_91 : memref<1x128x32xf32, #tpu.memory_space<vmem>> -> memref<128x32xf32, #tpu.memory_space<vmem>>
      tpu.enqueue_dma source(%dma_start3A_92 : memref<128x32xf32, #tpu.memory_space<vmem>>) target(%dma_start3A_88 : memref<128x32xf32, #tpu.memory_space<hbm>>) target_semaphore(%run_scoped3A_81 : memref<!tpu.dma_semaphore, #tpu.memory_space<semaphore_mem>>)
      %dma_wait3A = arith.constant 0 : i32
      %dma_wait3A_93 = arith.constant 0 : i32
      %dma_wait3A_94 = tpu.memref_slice %arg12[%run_scoped3A_80, %dma_wait3A, %dma_wait3A_93] : memref<3x128x32xf32, #tpu.memory_space<vmem>> -> memref<1x128x32xf32, #tpu.memory_space<vmem>>
      %dma_wait3A_95 = tpu.memref_squeeze %dma_wait3A_94 : memref<1x128x32xf32, #tpu.memory_space<vmem>> -> memref<128x32xf32, #tpu.memory_space<vmem>>
      %dma_wait3A_96 = arith.constant 0 : i32
      %dma_wait3A_97 = tpu.memref_slice %arg5[%add3A_79, %dma_wait3A_96] : memref<12288x32xf32, #tpu.memory_space<hbm>> -> memref<128x32xf32, #tpu.memory_space<hbm>>
      %dma_wait3A_98 = arith.constant 0 : i32
      %dma_wait3A_99 = tpu.memref_slice %arg5[%add3A_79, %dma_wait3A_98] : memref<12288x32xf32, #tpu.memory_space<hbm>> -> memref<128x32xf32, #tpu.memory_space<hbm>>
      %dma_wait3A_100 = arith.constant 0 : i32
      %dma_wait3A_101 = arith.constant 0 : i32
      %dma_wait3A_102 = tpu.memref_slice %arg12[%run_scoped3A_80, %dma_wait3A_100, %dma_wait3A_101] : memref<3x128x32xf32, #tpu.memory_space<vmem>> -> memref<1x128x32xf32, #tpu.memory_space<vmem>>
      %dma_wait3A_103 = tpu.memref_squeeze %dma_wait3A_102 : memref<1x128x32xf32, #tpu.memory_space<vmem>> -> memref<128x32xf32, #tpu.memory_space<vmem>>
      tpu.wait_dma2 semaphore(%run_scoped3A_81 : memref<!tpu.dma_semaphore, #tpu.memory_space<semaphore_mem>>) src(%dma_wait3A_103 : memref<128x32xf32, #tpu.memory_space<vmem>>) dst(%dma_wait3A_99 : memref<128x32xf32, #tpu.memory_space<hbm>>)
      tpu.yield
    }) : () -> ()
    return
  }
}

module attributes {stable_mosaic.version = 14 : i64} {
  func.func @_mask_body(%arg0: i32, %arg1: i32, %arg2: memref<1x1024x3xf32, #tpu.memory_space<vmem>>, %arg3: memref<1x4x3x512xf32, #tpu.memory_space<vmem>>, %arg4: memref<1x1024x512xi32, #tpu.memory_space<vmem>>) attributes {dimension_semantics = [#tpu.dimension_semantics<arbitrary>, #tpu.dimension_semantics<arbitrary>], iteration_bounds = array<i64: 4, 4>, scalar_prefetch = 0 : i64, scratch_operands = 0 : i64, tpu.core_type = #tpu.core_type<tc>, window_params = [{transform_indices = @transform_0, window_bounds = array<i64: 1, 1024, 3>}, {transform_indices = @transform_1, window_bounds = array<i64: 1, 4, 3, 512>}, {transform_indices = @transform_2, window_bounds = array<i64: 1, 1024, 512>}]} {
    %get3A = arith.constant 0 : index
    %get3A_0 = arith.constant 0 : index
    %get3A_1 = arith.constant 0 : index
    %get3A_2 = vector.load %arg2[%get3A, %get3A_0, %get3A_1] : memref<1x1024x3xf32, #tpu.memory_space<vmem>>, vector<1x1024x3xf32>
    %get3A_3 = vector.shape_cast %get3A_2 : vector<1x1024x3xf32> to vector<1024x3xf32>
    %slice3A = vector.extract_strided_slice %get3A_3 {offsets = [0, 0], sizes = [1024, 1], strides = [1, 1]} : vector<1024x3xf32> to vector<1024x1xf32>
    %squeeze3A = vector.shape_cast %slice3A : vector<1024x1xf32> to vector<1024xf32>
    %slice3A_4 = vector.extract_strided_slice %get3A_3 {offsets = [0, 1], sizes = [1024, 1], strides = [1, 1]} : vector<1024x3xf32> to vector<1024x1xf32>
    %squeeze3A_5 = vector.shape_cast %slice3A_4 : vector<1024x1xf32> to vector<1024xf32>
    %slice3A_6 = vector.extract_strided_slice %get3A_3 {offsets = [0, 2], sizes = [1024, 1], strides = [1, 1]} : vector<1024x3xf32> to vector<1024x1xf32>
    %squeeze3A_7 = vector.shape_cast %slice3A_6 : vector<1024x1xf32> to vector<1024xf32>
    %mul3A = arith.mulf %squeeze3A, %squeeze3A : vector<1024xf32>
    %mul3A_8 = arith.mulf %squeeze3A_5, %squeeze3A_5 : vector<1024xf32>
    %add3A = arith.addf %mul3A, %mul3A_8 : vector<1024xf32>
    %mul3A_9 = arith.mulf %squeeze3A_7, %squeeze3A_7 : vector<1024xf32>
    %add3A_10 = arith.addf %add3A, %mul3A_9 : vector<1024xf32>
    %get3A_11 = arith.constant 0 : index
    %get3A_12 = arith.constant 0 : index
    %get3A_13 = arith.constant 0 : index
    %get3A_14 = arith.constant 0 : index
    %get3A_15 = vector.load %arg3[%get3A_11, %get3A_12, %get3A_13, %get3A_14] : memref<1x4x3x512xf32, #tpu.memory_space<vmem>>, vector<1x1x3x512xf32>
    %get3A_16 = vector.shape_cast %get3A_15 : vector<1x1x3x512xf32> to vector<3x512xf32>
    %slice3A_17 = vector.extract_strided_slice %get3A_16 {offsets = [0, 0], sizes = [1, 512], strides = [1, 1]} : vector<3x512xf32> to vector<1x512xf32>
    %squeeze3A_18 = vector.shape_cast %slice3A_17 : vector<1x512xf32> to vector<512xf32>
    %slice3A_19 = vector.extract_strided_slice %get3A_16 {offsets = [1, 0], sizes = [1, 512], strides = [1, 1]} : vector<3x512xf32> to vector<1x512xf32>
    %squeeze3A_20 = vector.shape_cast %slice3A_19 : vector<1x512xf32> to vector<512xf32>
    %slice3A_21 = vector.extract_strided_slice %get3A_16 {offsets = [2, 0], sizes = [1, 512], strides = [1, 1]} : vector<3x512xf32> to vector<1x512xf32>
    %squeeze3A_22 = vector.shape_cast %slice3A_21 : vector<1x512xf32> to vector<512xf32>
    %mul3A_23 = arith.mulf %squeeze3A_18, %squeeze3A_18 : vector<512xf32>
    %mul3A_24 = arith.mulf %squeeze3A_20, %squeeze3A_20 : vector<512xf32>
    %add3A_25 = arith.addf %mul3A_23, %mul3A_24 : vector<512xf32>
    %mul3A_26 = arith.mulf %squeeze3A_22, %squeeze3A_22 : vector<512xf32>
    %add3A_27 = arith.addf %add3A_25, %mul3A_26 : vector<512xf32>
    %dot_general3A = arith.constant dense<0.000000e+00> : vector<1024x512xf32>
    %dot_general3A_28 = tpu.matmul %get3A_3, %get3A_16, %dot_general3A {dimension_numbers = #tpu.dot_dimension_numbers<[1], [0], [0], [1], [0, 0, 1, 1], [], []>, transpose_lhs_hint = false} : vector<1024x3xf32>, vector<3x512xf32>, vector<1024x512xf32> -> vector<1024x512xf32>
    %broadcast_in_dim3A = vector.shape_cast %add3A_10 : vector<1024xf32> to vector<1024x1xf32>
    %broadcast_in_dim3A_29 = vector.shape_cast %add3A_27 : vector<512xf32> to vector<1x512xf32>
    %add3A_30 = vector.broadcast %broadcast_in_dim3A : vector<1024x1xf32> to vector<1024x512xf32>
    %add3A_31 = vector.broadcast %broadcast_in_dim3A_29 : vector<1x512xf32> to vector<1024x512xf32>
    %add3A_32 = arith.addf %add3A_30, %add3A_31 : vector<1024x512xf32>
    %mul3A_33 = arith.constant 2.000000e+00 : f32
    %mul3A_34 = vector.broadcast %mul3A_33 : f32 to vector<1024x512xf32>
    %mul3A_35 = arith.mulf %mul3A_34, %dot_general3A_28 : vector<1024x512xf32>
    %sub3A = arith.subf %add3A_32, %mul3A_35 : vector<1024x512xf32>
    %le3A = arith.constant 4.000000e-02 : f32
    %le3A_36 = vector.broadcast %le3A : f32 to vector<1024x512xf32>
    %le3A_37 = arith.cmpf ole, %sub3A, %le3A_36 : vector<1024x512xf32>
    %convert_element_type3A = arith.extui %le3A_37 : vector<1024x512xi1> to vector<1024x512xi32>
    %get3A_38 = arith.constant 0 : index
    %get3A_39 = arith.constant 1 : index
    %get3A_40 = arith.constant 0 : index
    %get3A_41 = arith.constant 0 : index
    %get3A_42 = vector.load %arg3[%get3A_38, %get3A_39, %get3A_40, %get3A_41] : memref<1x4x3x512xf32, #tpu.memory_space<vmem>>, vector<1x1x3x512xf32>
    %get3A_43 = vector.shape_cast %get3A_42 : vector<1x1x3x512xf32> to vector<3x512xf32>
    %slice3A_44 = vector.extract_strided_slice %get3A_43 {offsets = [0, 0], sizes = [1, 512], strides = [1, 1]} : vector<3x512xf32> to vector<1x512xf32>
    %squeeze3A_45 = vector.shape_cast %slice3A_44 : vector<1x512xf32> to vector<512xf32>
    %slice3A_46 = vector.extract_strided_slice %get3A_43 {offsets = [1, 0], sizes = [1, 512], strides = [1, 1]} : vector<3x512xf32> to vector<1x512xf32>
    %squeeze3A_47 = vector.shape_cast %slice3A_46 : vector<1x512xf32> to vector<512xf32>
    %slice3A_48 = vector.extract_strided_slice %get3A_43 {offsets = [2, 0], sizes = [1, 512], strides = [1, 1]} : vector<3x512xf32> to vector<1x512xf32>
    %squeeze3A_49 = vector.shape_cast %slice3A_48 : vector<1x512xf32> to vector<512xf32>
    %mul3A_50 = arith.mulf %squeeze3A_45, %squeeze3A_45 : vector<512xf32>
    %mul3A_51 = arith.mulf %squeeze3A_47, %squeeze3A_47 : vector<512xf32>
    %add3A_52 = arith.addf %mul3A_50, %mul3A_51 : vector<512xf32>
    %mul3A_53 = arith.mulf %squeeze3A_49, %squeeze3A_49 : vector<512xf32>
    %add3A_54 = arith.addf %add3A_52, %mul3A_53 : vector<512xf32>
    %dot_general3A_55 = arith.constant dense<0.000000e+00> : vector<1024x512xf32>
    %dot_general3A_56 = tpu.matmul %get3A_3, %get3A_43, %dot_general3A_55 {dimension_numbers = #tpu.dot_dimension_numbers<[1], [0], [0], [1], [0, 0, 1, 1], [], []>, transpose_lhs_hint = false} : vector<1024x3xf32>, vector<3x512xf32>, vector<1024x512xf32> -> vector<1024x512xf32>
    %broadcast_in_dim3A_57 = vector.shape_cast %add3A_10 : vector<1024xf32> to vector<1024x1xf32>
    %broadcast_in_dim3A_58 = vector.shape_cast %add3A_54 : vector<512xf32> to vector<1x512xf32>
    %add3A_59 = vector.broadcast %broadcast_in_dim3A_57 : vector<1024x1xf32> to vector<1024x512xf32>
    %add3A_60 = vector.broadcast %broadcast_in_dim3A_58 : vector<1x512xf32> to vector<1024x512xf32>
    %add3A_61 = arith.addf %add3A_59, %add3A_60 : vector<1024x512xf32>
    %mul3A_62 = arith.constant 2.000000e+00 : f32
    %mul3A_63 = vector.broadcast %mul3A_62 : f32 to vector<1024x512xf32>
    %mul3A_64 = arith.mulf %mul3A_63, %dot_general3A_56 : vector<1024x512xf32>
    %sub3A_65 = arith.subf %add3A_61, %mul3A_64 : vector<1024x512xf32>
    %le3A_66 = arith.constant 4.000000e-02 : f32
    %le3A_67 = vector.broadcast %le3A_66 : f32 to vector<1024x512xf32>
    %le3A_68 = arith.cmpf ole, %sub3A_65, %le3A_67 : vector<1024x512xf32>
    %convert_element_type3A_69 = arith.extui %le3A_68 : vector<1024x512xi1> to vector<1024x512xi32>
    %shift_left3A = arith.constant 8 : i32
    %shift_left3A_70 = vector.broadcast %shift_left3A : i32 to vector<1024x512xi32>
    %shift_left3A_71 = arith.shli %convert_element_type3A_69, %shift_left3A_70 : vector<1024x512xi32>
    %or3A = arith.ori %convert_element_type3A, %shift_left3A_71 : vector<1024x512xi32>
    %get3A_72 = arith.constant 0 : index
    %get3A_73 = arith.constant 2 : index
    %get3A_74 = arith.constant 0 : index
    %get3A_75 = arith.constant 0 : index
    %get3A_76 = vector.load %arg3[%get3A_72, %get3A_73, %get3A_74, %get3A_75] : memref<1x4x3x512xf32, #tpu.memory_space<vmem>>, vector<1x1x3x512xf32>
    %get3A_77 = vector.shape_cast %get3A_76 : vector<1x1x3x512xf32> to vector<3x512xf32>
    %slice3A_78 = vector.extract_strided_slice %get3A_77 {offsets = [0, 0], sizes = [1, 512], strides = [1, 1]} : vector<3x512xf32> to vector<1x512xf32>
    %squeeze3A_79 = vector.shape_cast %slice3A_78 : vector<1x512xf32> to vector<512xf32>
    %slice3A_80 = vector.extract_strided_slice %get3A_77 {offsets = [1, 0], sizes = [1, 512], strides = [1, 1]} : vector<3x512xf32> to vector<1x512xf32>
    %squeeze3A_81 = vector.shape_cast %slice3A_80 : vector<1x512xf32> to vector<512xf32>
    %slice3A_82 = vector.extract_strided_slice %get3A_77 {offsets = [2, 0], sizes = [1, 512], strides = [1, 1]} : vector<3x512xf32> to vector<1x512xf32>
    %squeeze3A_83 = vector.shape_cast %slice3A_82 : vector<1x512xf32> to vector<512xf32>
    %mul3A_84 = arith.mulf %squeeze3A_79, %squeeze3A_79 : vector<512xf32>
    %mul3A_85 = arith.mulf %squeeze3A_81, %squeeze3A_81 : vector<512xf32>
    %add3A_86 = arith.addf %mul3A_84, %mul3A_85 : vector<512xf32>
    %mul3A_87 = arith.mulf %squeeze3A_83, %squeeze3A_83 : vector<512xf32>
    %add3A_88 = arith.addf %add3A_86, %mul3A_87 : vector<512xf32>
    %dot_general3A_89 = arith.constant dense<0.000000e+00> : vector<1024x512xf32>
    %dot_general3A_90 = tpu.matmul %get3A_3, %get3A_77, %dot_general3A_89 {dimension_numbers = #tpu.dot_dimension_numbers<[1], [0], [0], [1], [0, 0, 1, 1], [], []>, transpose_lhs_hint = false} : vector<1024x3xf32>, vector<3x512xf32>, vector<1024x512xf32> -> vector<1024x512xf32>
    %broadcast_in_dim3A_91 = vector.shape_cast %add3A_10 : vector<1024xf32> to vector<1024x1xf32>
    %broadcast_in_dim3A_92 = vector.shape_cast %add3A_88 : vector<512xf32> to vector<1x512xf32>
    %add3A_93 = vector.broadcast %broadcast_in_dim3A_91 : vector<1024x1xf32> to vector<1024x512xf32>
    %add3A_94 = vector.broadcast %broadcast_in_dim3A_92 : vector<1x512xf32> to vector<1024x512xf32>
    %add3A_95 = arith.addf %add3A_93, %add3A_94 : vector<1024x512xf32>
    %mul3A_96 = arith.constant 2.000000e+00 : f32
    %mul3A_97 = vector.broadcast %mul3A_96 : f32 to vector<1024x512xf32>
    %mul3A_98 = arith.mulf %mul3A_97, %dot_general3A_90 : vector<1024x512xf32>
    %sub3A_99 = arith.subf %add3A_95, %mul3A_98 : vector<1024x512xf32>
    %le3A_100 = arith.constant 4.000000e-02 : f32
    %le3A_101 = vector.broadcast %le3A_100 : f32 to vector<1024x512xf32>
    %le3A_102 = arith.cmpf ole, %sub3A_99, %le3A_101 : vector<1024x512xf32>
    %convert_element_type3A_103 = arith.extui %le3A_102 : vector<1024x512xi1> to vector<1024x512xi32>
    %shift_left3A_104 = arith.constant 16 : i32
    %shift_left3A_105 = vector.broadcast %shift_left3A_104 : i32 to vector<1024x512xi32>
    %shift_left3A_106 = arith.shli %convert_element_type3A_103, %shift_left3A_105 : vector<1024x512xi32>
    %or3A_107 = arith.ori %or3A, %shift_left3A_106 : vector<1024x512xi32>
    %get3A_108 = arith.constant 0 : index
    %get3A_109 = arith.constant 3 : index
    %get3A_110 = arith.constant 0 : index
    %get3A_111 = arith.constant 0 : index
    %get3A_112 = vector.load %arg3[%get3A_108, %get3A_109, %get3A_110, %get3A_111] : memref<1x4x3x512xf32, #tpu.memory_space<vmem>>, vector<1x1x3x512xf32>
    %get3A_113 = vector.shape_cast %get3A_112 : vector<1x1x3x512xf32> to vector<3x512xf32>
    %slice3A_114 = vector.extract_strided_slice %get3A_113 {offsets = [0, 0], sizes = [1, 512], strides = [1, 1]} : vector<3x512xf32> to vector<1x512xf32>
    %squeeze3A_115 = vector.shape_cast %slice3A_114 : vector<1x512xf32> to vector<512xf32>
    %slice3A_116 = vector.extract_strided_slice %get3A_113 {offsets = [1, 0], sizes = [1, 512], strides = [1, 1]} : vector<3x512xf32> to vector<1x512xf32>
    %squeeze3A_117 = vector.shape_cast %slice3A_116 : vector<1x512xf32> to vector<512xf32>
    %slice3A_118 = vector.extract_strided_slice %get3A_113 {offsets = [2, 0], sizes = [1, 512], strides = [1, 1]} : vector<3x512xf32> to vector<1x512xf32>
    %squeeze3A_119 = vector.shape_cast %slice3A_118 : vector<1x512xf32> to vector<512xf32>
    %mul3A_120 = arith.mulf %squeeze3A_115, %squeeze3A_115 : vector<512xf32>
    %mul3A_121 = arith.mulf %squeeze3A_117, %squeeze3A_117 : vector<512xf32>
    %add3A_122 = arith.addf %mul3A_120, %mul3A_121 : vector<512xf32>
    %mul3A_123 = arith.mulf %squeeze3A_119, %squeeze3A_119 : vector<512xf32>
    %add3A_124 = arith.addf %add3A_122, %mul3A_123 : vector<512xf32>
    %dot_general3A_125 = arith.constant dense<0.000000e+00> : vector<1024x512xf32>
    %dot_general3A_126 = tpu.matmul %get3A_3, %get3A_113, %dot_general3A_125 {dimension_numbers = #tpu.dot_dimension_numbers<[1], [0], [0], [1], [0, 0, 1, 1], [], []>, transpose_lhs_hint = false} : vector<1024x3xf32>, vector<3x512xf32>, vector<1024x512xf32> -> vector<1024x512xf32>
    %broadcast_in_dim3A_127 = vector.shape_cast %add3A_10 : vector<1024xf32> to vector<1024x1xf32>
    %broadcast_in_dim3A_128 = vector.shape_cast %add3A_124 : vector<512xf32> to vector<1x512xf32>
    %add3A_129 = vector.broadcast %broadcast_in_dim3A_127 : vector<1024x1xf32> to vector<1024x512xf32>
    %add3A_130 = vector.broadcast %broadcast_in_dim3A_128 : vector<1x512xf32> to vector<1024x512xf32>
    %add3A_131 = arith.addf %add3A_129, %add3A_130 : vector<1024x512xf32>
    %mul3A_132 = arith.constant 2.000000e+00 : f32
    %mul3A_133 = vector.broadcast %mul3A_132 : f32 to vector<1024x512xf32>
    %mul3A_134 = arith.mulf %mul3A_133, %dot_general3A_126 : vector<1024x512xf32>
    %sub3A_135 = arith.subf %add3A_131, %mul3A_134 : vector<1024x512xf32>
    %le3A_136 = arith.constant 4.000000e-02 : f32
    %le3A_137 = vector.broadcast %le3A_136 : f32 to vector<1024x512xf32>
    %le3A_138 = arith.cmpf ole, %sub3A_135, %le3A_137 : vector<1024x512xf32>
    %convert_element_type3A_139 = arith.extui %le3A_138 : vector<1024x512xi1> to vector<1024x512xi32>
    %shift_left3A_140 = arith.constant 24 : i32
    %shift_left3A_141 = vector.broadcast %shift_left3A_140 : i32 to vector<1024x512xi32>
    %shift_left3A_142 = arith.shli %convert_element_type3A_139, %shift_left3A_141 : vector<1024x512xi32>
    %or3A_143 = arith.ori %or3A_107, %shift_left3A_142 : vector<1024x512xi32>
    %swap3A = arith.constant 0 : index
    %swap3A_144 = arith.constant 0 : index
    %swap3A_145 = arith.constant 0 : index
    %swap3A_146 = vector.load %arg4[%swap3A, %swap3A_144, %swap3A_145] : memref<1x1024x512xi32, #tpu.memory_space<vmem>>, vector<1x1024x512xi32>
    %swap3A_147 = vector.shape_cast %swap3A_146 : vector<1x1024x512xi32> to vector<1024x512xi32>
    %swap3A_148 = vector.shape_cast %or3A_143 : vector<1024x512xi32> to vector<1x1024x512xi32>
    tpu.vector_store %arg4[%swap3A, %swap3A_144, %swap3A_145], %swap3A_148 {strides = array<i32>} : memref<1x1024x512xi32, #tpu.memory_space<vmem>>, vector<1x1024x512xi32>,
    return
  }
  func.func @transform_0(%arg0: i32, %arg1: i32) -> (i32, i32, i32) {
    %c0_i32 = arith.constant 0 : i32
    %c0_i32_0 = arith.constant 0 : i32
    %c0_i32_1 = arith.constant 0 : i32
    return %arg0, %c0_i32, %c0_i32_0 : i32, i32, i32
  }
  func.func @transform_1(%arg0: i32, %arg1: i32) -> (i32, i32, i32, i32) {
    %c0_i32 = arith.constant 0 : i32
    %c0_i32_0 = arith.constant 0 : i32
    %c0_i32_1 = arith.constant 0 : i32
    return %arg0, %c0_i32, %c0_i32_0, %arg1 : i32, i32, i32, i32
  }
  func.func @transform_2(%arg0: i32, %arg1: i32) -> (i32, i32, i32) {
    %c0_i32 = arith.constant 0 : i32
    %c0_i32_0 = arith.constant 0 : i32
    return %arg0, %c0_i32, %arg1 : i32, i32, i32
  }
}

</mosaic_0001>

<sc_bundles>
// kernel: kernel.4.cloned.1.call-start
scs
__scs_entry_jumppad:
0x0: {  	(pc) =	sbr.rel $0x88, $3  }
0x1: {  	(tag) =	ssettag $0x0;
	lr =	simm.s32 $0x1  }
0x2: {  	[smem:$0x3F9F] =	sst lr;
	_ =	strace $0xD0000000  }
0x3: {  	_ = 	snop  }
0x4: {  	_ = 	snop  }
0x5: {  	_ = 	snop  }
0x6: {  	_ = 	snop  }
0x7: {  	_ = 	snop  }
__scs_overlays_trampoline_lowered:
0x8: {  	[smem:$0x3FAE] =	sst s0  }
0x9: {  	[smem:$0x3FAF] =	sst s1  }
0xa: {  	[smem:$0x3FB0] =	sst s2  }
0xb: {  	[smem:$0x3FB1] =	sst s3  }
0xc: {  	[smem:$0x3FB2] =	sst s4  }
0xd: {  	[smem:$0x3FB3] =	sst s5  }
0xe: {  	[smem:$0x3FB4] =	sst s6  }
0xf: {  	[smem:$0x3FB5] =	sst s7  }
0x10: {  	[smem:$0x3FB6] =	sst s8  }
0x11: {  	[smem:$0x3FB7] =	sst s9;
	s0 =	simm.s32 @!p0 $0x0  }
0x12: {  	s1 =	sld [smem:$0x3F9D];
	s0 =	simm.s32 @p0 $0x1  }
0x13: {  	[smem:$0x3FB8] =	sst s0;
	s0 =	simm.s32 @!p1 $0x0  }
0x14: {  	s2 =	sld [smem:$0x3F9C];
	s0 =	simm.s32 @p1 $0x1  }
0x15: {  	[smem:$0x3FB9] =	sst s0;
	s0 =	simm.s32 @!p2 $0x0  }
0x16: {  	s3 =	sld [smem:$0x3FDB];
	s0 =	simm.s32 @p2 $0x1  }
0x17: {  	s4 =	simm.s32 $0x1BF5;
	[smem:$0x3FBB] =	sst s0  }
0x18: {  	s0 =	sld [smem:$0x3F9E];
	_ =	swait.ge [sflag:s4], $0x0  }
0x19: {  	s7 =	sld [smem:$0x3F9F]  }
0x1a: {  	s8 =	sadd.s32 $0xFFFFE003, lr  }
0x1b: {  	s9 =	sadd.s32 $0xFFFFFEF7, lr;
	s5 =	simm.s32 $0xFFFFFFFF;
	p2 =	slt.u32 s8, $0xFFFFF086  }
0x1c: {  	p1 =	slt.u32 s9, $0xF7A;
	s5 =	simm.s32 @!p2 $0x0  }
0x1d: {  	s5 =	simm.s32 @p1 $0x1;
	p0 =	seq.s32 s7, s2  }
0x1e: {  	s7 =	smul.u32 @!p0 $0xF7A, s2;
	p2 =	seq.s32 @!p0 s5, $0x0  }
0x1f: {  	s9 =	smul.u32 $0xF7A, s1;
	s8 =	simm.s32 @!p0 $0x1BF5;
	p2 =	por !p2, p0  }
0x20: {  	[sflag:s8] =	ssyncset.s32 @!p0 $0xFFFFF086;
	s6 =	sadd.s32 @!p0 s3, s7;
	s7 =	simm.s32 @!p0 $0x108  }
0x21: {  	s3 =	sadd.s32 s3, s9;
	s6 =	sadd.s32 @!p0 $0x88, s6;
	s7 =	simm.s32 @p2 $0x1082  }
0x22: {  	[simem:s7], [sflag:s8] =	dma.local @!p0 [hbm:s6], $0xF7A  }
0x23: {  	s9 =	sor.u32 $0xD0000000, s2;
	s6 =	simm.s32 $0x108;
	_ =	swait.ge @!p0 [sflag:s8], $0x0  }
0x24: {  	s3 =	sadd.s32 $0x88, s3;
	s6 =	simm.s32 @!p1 $0x1082;
	[sflag:s4] =	ssyncset.s32 $0xFFFFF086  }
0x25: {  	[simem:s6], [sflag:s4] =	dma.local [hbm:s3], $0xF7A  }
0x26: {  	[smem:$0x3F9F] =	sst s1;
	(tag) =	ssettag s2;
	_ =	strace s9  }
0x27: {  	s1 =	sld [smem:$0x3FAF]  }
0x28: {  	s2 =	sld [smem:$0x3FB0]  }
0x29: {  	s4 =	sld [smem:$0x3FB2]  }
0x2a: {  	p0 =	seq.s32 s5, $0x0;
	s5 =	sld [smem:$0x3FB3]  }
0x2b: {  	s6 =	sld [smem:$0x3FB4]  }
0x2c: {  	s7 =	sld [smem:$0x3FB5]  }
0x2d: {  	s3 =	simm.s32 $0x108;
	s8 =	sld [smem:$0x3FB6]  }
0x2e: {  	s3 =	simm.s32 @!p0 $0x1082;
	s9 =	sld [smem:$0x3FB7]  }
0x2f: {  	lr =	sadd.s32 s0, s3;
	s0 =	sld [smem:$0x3FAE]  }
0x30: {  	s3 =	sld [smem:$0x3FB1]  }
0x31: {  	[smem:$0x3FBA] =	sst s10  }
0x32: {  	s10 =	sld [smem:$0x3FB8];
	_ =	sdelay $0x3  }
0x33: {  	p0 =	seq.s32 s10, $0x1;
	s10 =	sld [smem:$0x3FBA];
	_ =	sdelay $0x3  }
0x34: {  	[smem:$0x3FBA] =	sst s10  }
0x35: {  	s10 =	sld [smem:$0x3FB9];
	_ =	sdelay $0x3  }
0x36: {  	p1 =	seq.s32 s10, $0x1;
	s10 =	sld [smem:$0x3FBA];
	_ =	sdelay $0x3  }
0x37: {  	[smem:$0x3FBA] =	sst s10  }
0x38: {  	s10 =	sld [smem:$0x3FBB]  }
0x39: {  	_ = 	snop;
	(pc) =	sbr.ind lr, $3  }
0x3a: {  	_ = 	snop  }
0x3b: {  	_ = 	snop  }
0x3c: {  	p2 =	seq.s32 s10, $0x1;
	s10 =	sld [smem:$0x3FBA]  }
0x3d: {  	_ =	shalt  }
0x3e: {  	_ =	shalt  }
0x3f: {  	_ =	shalt  }
0x40: {  	_ =	shalt  }
0x41: {  	_ =	shalt  }
0x42: {  	_ =	shalt  }
0x43: {  	_ =	shalt  }
0x44: {  	_ =	shalt  }
0x45: {  	_ =	shalt  }
0x46: {  	_ =	shalt  }
0x47: {  	_ =	shalt  }
0x48: {  	_ =	shalt  }
0x49: {  	_ =	shalt  }
0x4a: {  	_ =	shalt  }
0x4b: {  	_ =	shalt  }
0x4c: {  	_ =	shalt  }
0x4d: {  	_ =	shalt  }
0x4e: {  	_ =	shalt  }
0x4f: {  	_ =	shalt  }
0x50: {  	_ =	shalt  }
0x51: {  	_ =	shalt  }
0x52: {  	_ =	shalt  }
0x53: {  	_ =	shalt  }
0x54: {  	_ =	shalt  }
0x55: {  	_ =	shalt  }
0x56: {  	_ =	shalt  }
0x57: {  	_ =	shalt  }
0x58: {  	_ =	shalt  }
0x59: {  	_ =	shalt  }
0x5a: {  	_ =	shalt  }
0x5b: {  	_ =	shalt  }
0x5c: {  	_ =	shalt  }
0x5d: {  	_ =	shalt  }
0x5e: {  	_ =	shalt  }
0x5f: {  	_ =	shalt  }
0x60: {  	_ =	shalt  }
0x61: {  	_ =	shalt  }
0x62: {  	_ =	shalt  }
0x63: {  	_ =	shalt  }
0x64: {  	_ =	shalt  }
0x65: {  	_ =	shalt  }
0x66: {  	_ =	shalt  }
0x67: {  	_ =	shalt  }
0x68: {  	_ =	shalt  }
0x69: {  	_ =	shalt  }
0x6a: {  	_ =	shalt  }
0x6b: {  	_ =	shalt  }
0x6c: {  	_ =	shalt  }
0x6d: {  	_ =	shalt  }
0x6e: {  	_ =	shalt  }
0x6f: {  	_ =	shalt  }
0x70: {  	_ =	shalt  }
0x71: {  	_ =	shalt  }
0x72: {  	_ =	shalt  }
0x73: {  	_ =	shalt  }
0x74: {  	_ =	shalt  }
0x75: {  	_ =	shalt  }
0x76: {  	_ =	shalt  }
0x77: {  	_ =	shalt  }
0x78: {  	_ =	shalt  }
0x79: {  	_ =	shalt  }
0x7a: {  	_ =	shalt  }
0x7b: {  	_ =	shalt  }
0x7c: {  	_ =	shalt  }
0x7d: {  	_ =	shalt  }
0x7e: {  	_ =	shalt  }
0x7f: {  	_ =	shalt  }
0x80: {  	_ =	shalt  }
0x81: {  	_ =	shalt  }
0x82: {  	_ =	shalt  }
0x83: {  	_ =	shalt  }
0x84: {  	_ =	shalt  }
0x85: {  	_ =	shalt  }
0x86: {  	_ =	shalt  }
0x87: {  	_ =	shalt  }
.Lfunc_end0:
.L_simem_size_0:
called_computation.1_lowered:
.L_overlay_start_0:
0x88: {  	s2 =	sld [smem:$0x3FD9]  }
0x89: {  	s3 =	sld [smem:$0x3FFE];
	_ =	sdelay $0x1  }
0x8a: {  	s1 =	srdreg.scid  }
0x8b: {  	s0 =	sand.u32 $0x1, s1  }
0x8c: {  	s14 =	sshll.u32 s0, $0xA;
	s2 =	sadd.s32 s3, s2  }
0x8d: {  	s2 =	sadd.s32 s2, s14  }
0x8e: {  	[smem:$0x3FC6] =	sst s2  }
0x8f: {  	_ = 	snop  }
0x90: {  	s2 =	sld [smem:$0x3FD0];
	_ =	sdelay $0x2  }
0x91: {  	s15 =	simm.s32 $0xA;
	s4 =	simm.s32 $0x10  }
0x92: {  	[smem:s4], [sflag:s15] =	dma.local [hbm:s2], $0x1  }
0x93: {  	_ =	swait.eq [sflag:s15], $0x1  }
0x94: {  	[sflag:s15] =	ssyncset.done $0x0  }
0x95: {  	s16 =	sld [smem:$0x10];
	[sflag:s15] =	ssyncadd.s32 $0xFFFFFFFF  }
0x96: {  	s17 =	sld [smem:$0x11];
	(tm) =	ssettm $0x1  }
0x97: {  	s18 =	sld [smem:$0x3FFB];
	_ =	sdelay $0x3  }
0x98: {  	_ =	strace s18  }
0x99: {  	s4 =	sld [smem:$0x3FFC];
	_ =	sdelay $0x3  }
0x9a: {  	_ =	strace s4  }
0x9b: {  	s4 =	sld [smem:$0x3FFD];
	_ =	sdelay $0x3  }
0x9c: {  	_ =	strace s4  }
0x9d: {  	_ =	strace $0x8FFFFFFF  }
0x9e: {  	s19 =	sld [smem:$0x3FDB];
	_ =	sdelay $0x1  }
0x9f: {  	s5 =	simm.s32 $_scs_section_size  }
0xa0: {  	s6 =	simm.s32 $_size__tile_overlayer_lowered;
	s7 =	simm.s32 $_tile_overlayer_lowered  }
0xa1: {  	s22 =	simm.s32 $0x1BFF;
	s21 =	sshll.u32 s7, $0x1;
	s4 =	sadd.s32 s5, s19  }
0xa2: {  	s8 =	simm.s32 $0x0;
	s20 =	sshll.u32 s6, $0x1;
	s6 =	sadd.s32 s21, s4  }
0xa3: {  	[timem:s8], [sflag:s22] =	dma.local [hbm:s6], s20  }
0xa4: {  	_ =	swait.ge [sflag:s22], s20  }
0xa5: {  	s5 =	ssub.s32 $0x0, s20;
	[sflag:s22] =	ssyncset.done $0x0  }
0xa6: {  	[sflag:s22] =	ssyncadd.s32 s5;
	_ =	sdelay $0x1  }
0xa7: {  	s23 =	simm.s32 $0x1B8B  }
0xa8: {  	_ =	swait.ge [sflag:s23], $0x1  }
0xa9: {  	[sflag:s23] =	ssyncset.done $0x0  }
0xaa: {  	s25 =	simm.s32 $0x1B8E;
	s24 =	sld [smem:$0x3FFE];
	[sflag:s23] =	ssyncadd.s32 $0xFFFFFFFF  }
0xab: {  	s26 =	simm.s32 $execute0_lowered;
	[smem:$0x3FD2] =	sst s25  }
0xac: {  	s6 =	sshll.u32 s26, $0x1;
	_ =	strace $0x80000049;
	[dreg:$0x1] =	wrdreg $0xFFFFFFFF  }
0xad: {  	s28 =	simm.s32 $_size_execute0_lowered;
	s4 =	sadd.s32 s4, s6;
	[dreg:$0x0] =	wrdreg $0x0  }
0xae: {  	s6 =	sshll.u32 s28, $0x1;
	[dreg:$0x2] =	wrdreg s4  }
0xaf: {  	[dreg:$0x3] =	wrdreg s6  }
0xb0: {  	[dreg:$0x4] =	wrdreg $0xC0  }
0xb1: {  	_ =	task [dreg:s8], $0x5FFFF  }
0xb2: {  	[dreg:$0x1] =	wrdreg $0xFFFFFFFF  }
0xb3: {  	[dreg:$0x0] =	wrdreg $0x60  }
0xb4: {  	[dreg:$0x2] =	wrdreg s17  }
0xb5: {  	[dreg:$0x3] =	wrdreg s16  }
0xb6: {  	[dreg:$0x4] =	wrdreg s24  }
0xb7: {  	[dreg:$0x5] =	wrdreg $0x9  }
0xb8: {  	_ =	task.clear_ibuf [dreg:s8], $0x6FFFF;
	_ =	strace $0x90000049  }
0xb9: {  	s29 =	simm.s32 $0x9;
	_ =	strace $0x8000004B  }
0xba: {  	_ =	swait.ge [sflag:s29], $0x1  }
0xbb: {  	[sflag:s29] =	ssyncadd.s32 $0xFFFFFFFF  }
0xbc: {  	_ =	strace $0x9000004B  }
0xbd: {  	_ =	sfence  }
0xbe: {  	s30 =	sld [smem:$0x0];
	_ =	sdelay $0x2  }
0xbf: {  	s31 =	sshll.u32 s1, $0xD;
	s1 =	sshrl.u32 s1, $0x2  }
0xc0: {  	s3 =	sand.u32 $0x4000, s31;
	s1 =	sadd.s32 s1, s30  }
0xc1: {  	s0 =	sor.u32 s3, s0;
	s1 =	sshll.u32 s1, $0x11  }
0xc2: {  	s0 =	sor.u32 s1, s0  }
0xc3: {  	s0 =	sadd.s32 $0x8F2B, s0  }
0xc4: {  	[sflag:s0] =	ssyncadd.remote.s32 $0x1  }
0xc5: {  	_ =	sfence.sel $0xFFFF  }
0xc6: {  	[dreg:$0x0] =	wrdreg $0xFFFFFFFF;
	(pc) =	sbr.abs _section_cstart, $3  }
0xc7: {  	[dreg:$0x1] =	wrdreg $0xFFFFFFFF  }
0xc8: {  	_ =	task.clear_ibuf [dreg:s8], $0x2FFFF;
	_ =	strace $0x9FFFFFFF  }
0xc9: {  	(tm) =	ssettm $0x7FFFFFFF  }
tec
execute0_lowered:
.L_overlay_start_1:
0x0: {  	(tag) =	ssettag $0x1  }
0x1: {  	s1 =	rddreg [dreg:$0x0]  }
0x2: {  	s6 =	rddreg [dreg:$0x1]  }
0x3: {  	s2 =	srdreg.scid;
	s0 =	stileid.u32  }
0x4: {  	s3 =	rddreg [dreg:$0x2];
	s14 =	simm.s32 $0x1;
	s15 =	simm.s32 $0x2000  }
0x5: {  	s16 =	simm.s32 $0x4000;
	s17 =	simm.s32 $0x6000;
	s18 =	simm.s32 $0x6180  }
0x6: {  	s19 =	simm.s32 $0x6200;
	s20 =	simm.s32 $0x6480;
	s7 =	sshrl.u32 s0, $0x2  }
0x7: {  	s21 =	simm.s32 $0xA480;
	s4 =	sand.u32 $0x1, s2;
	s9 =	smul.u32 $0xC00, s7  }
0x8: {  	s22 =	sshll.u32 s0, $0x1;
	s2 =	simm.s32 $0x0;
	s10 =	smul.u32 $0x6000, s7  }
0x9: {  	s5 =	sor.u32 s4, s22;
	[smem:$0x7FF] =	sst s2;
	s23 =	smul.u32 $0x180, s7  }
0xa: {  	s4 =	ssub.s32 $0x2, s4;
	s7 =	smul.u32 $0x3, s7;
	s22 =	simm.s32 $0xE480  }
0xb: {  	s8 =	sshll.u32 s5, $0x7;
	s11 =	sshll.u32 s5, $0xF;
	_ =	strace $0x8000004A  }
0xc: {  	s25 =	sshrl.u32 s4, $0x1;
	s13 =	smul.u32 $0x30, s5;
	s8 =	sand.u32 $0x380, s8  }
0xd: {  	v0 =	vimm.f32 $2.000000030e-01;
	s11 =	sadd.s32 s11, s3;
	s12 =	ssub.s32 s4, s25;
	s29 =	sadd.s32 $0x1, s7  }
0xe: {  	s7 =	sadd.s32 $0x2, s7;
	(erf) = vrcp.f32 v0;
	s8 =	sor.u32 s9, s8;
	s9 =	sor.u32 s23, s10  }
0xf: {  	s30 =	sshll.u32 s29, $0xA;
	s4 =	sshll.u32 s29, $0x4;
	s31 =	sshll.u32 s7, $0x4  }
0x10: {  	s7 =	sshll.u32 s7, $0xA;
	s6 =	sadd.s32 s6, s13;
	s13 =	simm.s32 $0x400  }
0x11: {  	s23 =	simm.s32 $0x0;
	s8 =	sshll.u32 s8, $0x4;
	s26 =	sand.u32 $0x10380, s9  }
0x12: {  	s4 =	sand.u32 $0x70, s4;
	s9 =	sand.u32 $0x70, s31;
	s7 =	sand.u32 $0x6000, s7  }
.Ltmp0:
0x13: {  	s24 =	sadd.s32 s8, s3;
	s28 =	sshrl.u32 s26, $0x3;
	(pc) =	sbr.rel .LBB2_1-.Ltmp0, $4  }
0x14: {  	v0 =	vlaneseq.u32;
	s8 =	sand.u32 $0x6000, s30;
	s4 =	sadd.s32 s1, s4;
	s9 =	sadd.s32 s1, s9  }
0x15: {  	v1 =	vmul.u32 $0x4, v0;
	s3 =	sadd.s32 s1, s28;
	s4 =	sadd.s32 s8, s4;
	s5 =	sadd.s32 s7, s9  }
0x16: {  	v2 =	vimm.s32 $0x0;
	v7 =	vor.u32 $0x10, v0;
	s7 =	sadd.s32 $0x100C00, s11;
	s8 =	sadd.s32 $0xC00, s24;
	s9 =	sadd.s32 $0x4C00, s24  }
0x17: {  	v3 =	vor.u32 $0x1, v1;
	v5 =	vor.u32 $0x2, v1;
	v6 =	vor.u32 $0x3, v1;
	s10 =	sadd.s32 $0x8C00, s24;
	s11 =	smax.u32 s12, $0x1;
	s12 =	simm.s32 $0x80;
	v4 =	vpop (erf)  }
.LBB2_9:
0x18: {  	[hbm4b:s8+s2] =	stream.linear.scatter [tilespmem:s20], [sflag:$0x1], $0x4000, $0x38;
	[tilespmem:$0x12480] =	vst v63  }
0x19: {  	_ =	swait.ge [sflag:s14], $0x4000  }
0x1a: {  	[sflag:s14] =	ssyncset.done $0x0  }
0x1b: {  	[sflag:s14] =	ssyncadd.s32 $0xFFFFC000  }
0x1c: {  	[hbm4b:s9+s2] =	stream.linear.scatter [tilespmem:s21], [sflag:$0x1], $0x4000, $0x38;
	[tilespmem:$0x12480] =	vst v63  }
0x1d: {  	s23 =	sadd.s32 $0x1, s23;
	_ =	swait.ge [sflag:s14], $0x4000  }
0x1e: {  	p0 =	sne.s32 s23, s11;
	[sflag:s14] =	ssyncset.done $0x0  }
.Ltmp1:
0x1f: {  	[sflag:s14] =	ssyncadd.s32 $0xFFFFC000;
	(pc) =	sbr.rel @!p0 .LBB2_10-.Ltmp1, $4  }
0x20: {  	[hbm4b:s10+s2] =	stream.linear.scatter [tilespmem:s22], [sflag:$0x1], $0x4000, $0x38;
	[tilespmem:$0x12480] =	vst v63  }
0x21: {  	_ =	swait.ge [sflag:s14], $0x4000  }
0x22: {  	[sflag:s14] =	ssyncset.done $0x0  }
0x23: {  	[sflag:s14] =	ssyncadd.s32 $0xFFFFC000  }
.LBB2_1:
0x24: {  	[tilespmem:s2], [sflag:$0x1] =	stream.strided.gather [hbm4b:s3+s12], $0x2000, s13, s12, $0x38;
	[tilespmem:$0x12480] =	vst v63  }
0x25: {  	_ =	swait.ge [sflag:s14], $0x2000  }
0x26: {  	[sflag:s14] =	ssyncset.done $0x0  }
0x27: {  	[sflag:s14] =	ssyncadd.s32 $0xFFFFE000  }
0x28: {  	[tilespmem:s15], [sflag:$0x1] =	stream.strided.gather [hbm4b:s4+s12], $0x2000, s13, s12, $0x38;
	[tilespmem:$0x12480] =	vst v63  }
0x29: {  	_ =	swait.ge [sflag:s14], $0x2000  }
0x2a: {  	[sflag:s14] =	ssyncset.done $0x0  }
0x2b: {  	[sflag:s14] =	ssyncadd.s32 $0xFFFFE000  }
0x2c: {  	[tilespmem:s16], [sflag:$0x1] =	stream.strided.gather [hbm4b:s5+s12], $0x2000, s13, s12, $0x38;
	[tilespmem:$0x12480] =	vst v63  }
0x2d: {  	_ =	swait.ge [sflag:s14], $0x2000  }
0x2e: {  	[sflag:s14] =	ssyncset.done $0x0  }
.Ltmp2:
0x2f: {  	[sflag:s14] =	ssyncadd.s32 $0xFFFFE000;
	(pc) =	sbr.rel .LBB2_2-.Ltmp2, $4  }
0x30: {  	[tilespmem:s17], [sflag:$0x1] =	stream.linear.gather [hbm4b:s6+s2], $0x180, $0x38;
	[tilespmem:$0x12480] =	vst v63  }
0x31: {  	_ =	swait.ge [sflag:s14], $0x180  }
0x32: {  	[sflag:s14] =	ssyncset.done $0x0  }
0x33: {  	s24 =	simm.s32 $0x0;
	[sflag:s14] =	ssyncadd.s32 $0xFFFFFE80  }
.LBB2_8:
0x34: {  	v8 =	vld [tilespmem:$0x6200]  }
0x35: {  	v9 =	vld.msk [tilespmem:s19+$0x0], $0xffff  }
0x36: {  	v10 =	vld [tilespmem:$0x6210]  }
0x37: {  	s0 =	smul.u32 $0x3, s24  }
0x38: {  	v11 =	vmov s29  }
0x39: {  	vm0 =	vgt.s32 v11, v0;
	v12 =	vmov s0  }
0x3a: {  	vm15 =	vgt.s32 v11, v7;
	v8 =	vsel vm0, v8, v9  }
0x3b: {  	v9 =	vsel vm15, v10, v9;
	_ =	sdelay $0x2  }
0x3c: {  	v58 =	vld.idx.msk [tilespmem:v12+s17+$0x0], $0xffff  }
0x3d: {  	v59 =	vld.idx.msk [tilespmem:v8+s2+$0x0], $0xffff  }
0x3e: {  	v60 =	vld.idx.msk [tilespmem:v9+s2+$0x0], $0xffff;
	_ =	sdelay $0x3  }
0x3f: {  	s1 =	sadd.s32 $0x1, s0;
	v11 =	vsub.f32 v59, v58  }
0x40: {  	v61 =	vmov s1;
	v10 =	vsub.f32 v60, v58  }
0x41: {  	s31 =	sshll.u32 s24, $0x7;
	v11 =	vmul.f32 v11, v4  }
0x42: {  	s1 =	sand.u32 $0x3FFFFF80, s31;
	v10 =	vmul.f32 v10, v4  }
0x43: {  	[tilespmem:s1+$0x6480] =	vst v11  }
0x44: {  	[tilespmem:s1+$0x6490] =	vst v10  }
0x45: {  	v10 =	vld.idx.msk [tilespmem:v61+s17+$0x0], $0xffff  }
0x46: {  	v11 =	vld.idx.msk [tilespmem:v8+s15+$0x0], $0xffff  }
0x47: {  	v62 =	vld.idx.msk [tilespmem:v9+s15+$0x0], $0xffff;
	_ =	sdelay $0x3  }
0x48: {  	s0 =	sadd.s32 $0x2, s0;
	v11 =	vsub.f32 v11, v10  }
0x49: {  	v63 =	vmov s0;
	v10 =	vsub.f32 v62, v10  }
0x4a: {  	v11 =	vmul.f32 v11, v4  }
0x4b: {  	v10 =	vmul.f32 v10, v4  }
0x4c: {  	[tilespmem:s1+$0xA480] =	vst v11  }
0x4d: {  	[tilespmem:s1+$0xA490] =	vst v10  }
0x4e: {  	v10 =	vld.idx.msk [tilespmem:v63+s17+$0x0], $0xffff  }
0x4f: {  	v8 =	vld.idx.msk [tilespmem:v8+s16+$0x0], $0xffff  }
0x50: {  	v9 =	vld.idx.msk [tilespmem:v9+s16+$0x0], $0xffff;
	_ =	sdelay $0x2  }
0x51: {  	s24 =	sadd.s32 $0x1, s24  }
0x52: {  	p0 =	sne.s32 s24, $0x80;
	v8 =	vsub.f32 v8, v10  }
.Ltmp3:
0x53: {  	v9 =	vsub.f32 v9, v10;
	(pc) =	sbr.rel @!p0 .LBB2_9-.Ltmp3, $4  }
0x54: {  	v8 =	vmul.f32 v8, v4  }
0x55: {  	v9 =	vmul.f32 v9, v4  }
0x56: {  	[tilespmem:s1+$0xE480] =	vst v8  }
0x57: {  	[tilespmem:s1+$0xE490] =	vst v9  }
.LBB2_2:
.Ltmp4:
0x58: {  	(pc) =	sbr.rel .LBB2_3-.Ltmp4, $3  }
0x59: {  	_ =	sdelay $0x1  }
0x5a: {  	s25 =	simm.s32 $0x0;
	[tilespmem:$0x6200] =	vst v2;
	s1 =	sshll.u32 s24, $0x8;
	s28 =	simm.s32 $0x0  }
0x5b: {  	[tilespmem:$0x6210] =	vst v2;
	s29 =	simm.s32 $0x0;
	[smem:$0x0] =	sst s25;
	s26 =	sadd.s32 s1, s7  }
.LBB2_6:
0x5c: {  	v11 =	vand.u32 $0x1, v11  }
0x5d: {  	v9 =	vshrl.u32 v9, $0x18;
	v10 =	vand.u32 $0x1, v10;
	v12 =	vadd.s32 v8, v11  }
0x5e: {  	v9 =	vand.u32 $0x1, v9;
	v13 =	vadd.s32 v10, v12  }
0x5f: {  	v14 =	vadd.s32 v9, v13  }
0x60: {  	(xrf0) =	vadd.scan.msk.s32 $0xffff, v14;
	_ =	sdelay $0x5  }
0x61: {  	v15, _, _ =	vpop (xrf0)  }
0x62: {  	(v2sf) =	vpush v15, $0xF;
	_ =	sdelay $0x7  }
0x63: {  	s0 =	sadd.s32 s29, s1;
	vm0 =	veq.s32 v8, $0x1;
	v14 =	vsub.s32 v15, v14  }
0x64: {  	vm1 =	veq.s32 v11, $0x1;
	v14 =	vadd.s32 s0, v14  }
0x65: {  	vm2 =	veq.s32 v10, $0x1;
	v8 =	vadd.s32 v8, v14  }
0x66: {  	vm3 =	veq.s32 v9, $0x1;
	v60 =	vadd.s32 v12, v14  }
0x67: {  	s31 =	sadd.s32 s30, s25;
	v61 =	vadd.s32 v14, v13  }
0x68: {  	v62 =	vor.u32 s31, v1  }
0x69: {  	v63 =	vor.u32 s31, v3;
	[tilespmem:v14+s19+$0x0] =	vst.idx.msk vm0, v62  }
0x6a: {  	[tilespmem:v8+s19+$0x0] =	vst.idx.msk vm1, v63;
	v8 =	vor.u32 s31, v5;
	s29 =	spop (v2sf)  }
0x6b: {  	[tilespmem:v60+s19+$0x0] =	vst.idx.msk vm2, v8;
	v8 =	vor.u32 s31, v6;
	s29 =	sadd.s32 s0, s29  }
0x6c: {  	[tilespmem:v61+s19+$0x0] =	vst.idx.msk vm3, v8;
	[smem:$0x0] =	sst s29  }
.LBB2_7:
0x6d: {  	s28 =	sadd.s32 $0x1, s28  }
0x6e: {  	p0 =	sne.s32 s28, $0x10  }
.Ltmp5:
0x6f: {  	_ = 	snop;
	(pc) =	sbr.rel @!p0 .LBB2_8-.Ltmp5, $2  }
0x70: {  	_ =	sdelay $0x2  }
0x71: {  	s25 =	sadd.s32 $0x200, s25  }
.LBB2_3:
0x72: {  	p0 =	sgt.s32 s29, $0x1F  }
.Ltmp6:
0x73: {  	_ = 	snop;
	(pc) =	sbr.rel @p0 .LBB2_7-.Ltmp6, $1  }
0x74: {  	_ =	sdelay $0x3  }
0x75: {  	s1 =	sshll.u32 s28, $0x4  }
0x76: {  	s30 =	simm.s32 $0x0;
	s1 =	sadd.s32 s1, s26  }
0x77: {  	[tilespmem:s18], [sflag:$0x1] =	stream.linear.gather [hbm4b:s1+s30], $0x80, $0x38;
	[tilespmem:$0x12480] =	vst v63  }
0x78: {  	_ =	swait.ge [sflag:s14], $0x80  }
0x79: {  	[sflag:s14] =	ssyncset.done $0x0  }
0x7a: {  	s0 =	simm.s32 $0x0;
	[sflag:s14] =	ssyncadd.s32 $0xFFFFFF80  }
0x7b: {  	v8 =	vld [tilespmem:s0+$0x6180];
	_ =	sdelay $0x4  }
0x7c: {  	v9 =	vshrl.u32 v8, $0x8  }
0x7d: {  	v10 =	vand.u32 $0x1, v8;
	v11 =	vshrl.u32 v8, $0x10;
	v9 =	vand.u32 $0x1, v9  }
0x7e: {  	v8 =	vshrl.u32 v8, $0x18;
	v11 =	vand.u32 $0x1, v11;
	v12 =	vadd.s32 v10, v9  }
0x7f: {  	v8 =	vand.u32 $0x1, v8;
	v13 =	vadd.s32 v11, v12  }
0x80: {  	v14 =	vadd.s32 v8, v13  }
0x81: {  	(xrf0) =	vadd.scan.msk.s32 $0xffff, v14;
	_ =	sdelay $0x5  }
0x82: {  	v15, _, _ =	vpop (xrf0)  }
0x83: {  	vm0 =	veq.s32 v10, $0x1;
	v14 =	vsub.s32 v15, v14;
	(v2sf) =	vpush v15, $0xF  }
0x84: {  	vm1 =	veq.s32 v9, $0x1;
	v14 =	vadd.s32 s29, v14  }
0x85: {  	vm2 =	veq.s32 v11, $0x1;
	v9 =	vadd.s32 v10, v14  }
0x86: {  	vm3 =	veq.s32 v8, $0x1;
	v10 =	vadd.s32 v12, v14  }
0x87: {  	s0 =	sadd.s32 $0x0, s25;
	v8 =	vadd.s32 v14, v13  }
0x88: {  	v11 =	vor.u32 s0, v1  }
0x89: {  	[tilespmem:v14+s19+$0x0] =	vst.idx.msk vm0, v11;
	v11 =	vor.u32 s0, v3  }
0x8a: {  	[tilespmem:v9+s19+$0x0] =	vst.idx.msk vm1, v11;
	v9 =	vor.u32 s0, v5  }
0x8b: {  	[tilespmem:v10+s19+$0x0] =	vst.idx.msk vm2, v9;
	v9 =	vor.u32 s0, v6  }
0x8c: {  	s0 =	simm.s32 $0x10;
	[tilespmem:v8+s19+$0x0] =	vst.idx.msk vm3, v9  }
0x8d: {  	v9 =	vld [tilespmem:s0+$0x6180];
	_ =	sdelay $0x4  }
0x8e: {  	s31 =	simm.s32 $0x80;
	s30 =	simm.s32 $0x40;
	v8 =	vand.u32 $0x1, v9;
	v11 =	vshrl.u32 v9, $0x8;
	v10 =	vshrl.u32 v9, $0x10;
	s1 =	spop (v2sf)  }
.LBB2_5:
0x8f: {  	p0 =	sne.s32 s31, $0x1C0  }
0x90: {  	v11 =	vand.u32 $0x1, v11;
	v9 =	vshrl.u32 v9, $0x18;
	s29 =	sadd.s32 s29, s1;
	s1 =	smov.u32 s31;
	s31 =	sadd.s32 $0x40, s31  }
0x91: {  	v10 =	vand.u32 $0x1, v10;
	v12 =	vadd.s32 v8, v11  }
0x92: {  	v9 =	vand.u32 $0x1, v9;
	v13 =	vadd.s32 v10, v12  }
0x93: {  	v14 =	vadd.s32 v9, v13  }
0x94: {  	(xrf0) =	vadd.scan.msk.s32 $0xffff, v14;
	_ =	sdelay $0x5  }
0x95: {  	v15, _, _ =	vpop (xrf0)  }
0x96: {  	vm0 =	veq.s32 v8, $0x1;
	v14 =	vsub.s32 v15, v14;
	(v2sf) =	vpush v15, $0xF  }
0x97: {  	vm1 =	veq.s32 v11, $0x1;
	vm2 =	veq.s32 v10, $0x1;
	v14 =	vadd.s32 s29, v14  }
0x98: {  	v8 =	vadd.s32 v8, v14;
	v10 =	vadd.s32 v12, v14;
	v11 =	vadd.s32 v14, v13  }
0x99: {  	vm3 =	veq.s32 v9, $0x1  }
0x9a: {  	s0 =	sadd.s32 s30, s25;
	s30 =	smov.u32 s1  }
0x9b: {  	v9 =	vor.u32 s0, v1  }
0x9c: {  	[tilespmem:v14+s19+$0x0] =	vst.idx.msk vm0, v9;
	v9 =	vor.u32 s0, v3  }
0x9d: {  	[tilespmem:v8+s19+$0x0] =	vst.idx.msk vm1, v9;
	v8 =	vor.u32 s0, v5  }
0x9e: {  	[tilespmem:v10+s19+$0x0] =	vst.idx.msk vm2, v8;
	v8 =	vor.u32 s0, v6  }
0x9f: {  	s0 =	sshra.s32 s30, $0x2;
	[tilespmem:v11+s19+$0x0] =	vst.idx.msk vm3, v8  }
0xa0: {  	v9 =	vld [tilespmem:s0+$0x6180]  }
.Ltmp7:
0xa1: {  	(pc) =	sbr.rel @p0 .LBB2_5-.Ltmp7, $2  }
0xa2: {  	_ =	sdelay $0x2  }
0xa3: {  	v8 =	vand.u32 $0x1, v9;
	v11 =	vshrl.u32 v9, $0x8;
	v10 =	vshrl.u32 v9, $0x10;
	s1 =	spop (v2sf)  }
.Ltmp8:
0xa4: {  	_ = 	snop;
	(pc) =	sbr.rel .LBB2_6-.Ltmp8, $1  }
0xa5: {  	_ =	sdelay $0x3  }
.LBB2_10:
0xa6: {  	_ =	sfence.sel $0x180000  }
0xa7: {  	[bflag:$0x0] =	sbarrier.arrive $0xFFFF  }
0xa8: {  	_ =	strace $0x9000004A  }
0xa9: {  	s0 =	stileid.u32;
	[bflag:$0x2] =	sbarrier.arrive $0xFFFF  }
0xaa: {  	p0 =	sne.s32 s0, $0x0;
	s0 =	rddreg [dreg:$0x3]  }
0xab: {  	s0 =	sadd.s32 @!p0 $0x100000, s0  }
0xac: {  	[sflag:s0] =	ssyncadd.tile.s32 @!p0 $0x1;
	_ =	shalt  }
.Lfunc_end2:
_tile_overlayer_lowered:
.L_overlay_start_2:
0xad: {  	(tag) =	ssettag $0x2  }
0xae: {  	s0 =	rddreg [dreg:$0x0];
	s2 =	stileid.u32  }
0xaf: {  	s1 =	rddreg [dreg:$0x1];
	p0 =	sne.s32 s2, $0x0  }
0xb0: {  	s3 =	rddreg [dreg:$0x2];
	[bflag:$0x3] =	sbarrier.arrive $0xFFFF;
	s2 =	simm.s32 @!p0 $0x1C01  }
0xb1: {  	[timem:s3], [sflag:s2] =	dma.local @!p0 [hbm:s0], s1  }
0xb2: {  	s0 =	simm.s32 @!p0 $0x1  }
0xb3: {  	_ =	swait.ge @!p0 [sflag:s0], s1  }
0xb4: {  	s1 =	ssub.s32 @!p0 $0x0, s1;
	[sflag:s0] =	ssyncset.done @!p0 $0x0  }
0xb5: {  	[sflag:s0] =	ssyncadd.s32 @!p0 s1  }
0xb6: {  	[bflag:$0x3] =	sbarrier.arrive $0xFFFF  }
0xb7: {  	_ =	shalt  }

// kernel: sparse-core-data-format-call.cloned.1.call-start
scs
called_computation_lowered:
.L_overlay_start_0:
0x0: {  	s1 =	sld [smem:$0x3FD9]  }
0x1: {  	s2 =	sld [smem:$0x3FFE];
	_ =	sdelay $0x1  }
0x2: {  	s3 =	srdreg.scid  }
0x3: {  	s0 =	sand.u32 $0x1, s3  }
0x4: {  	s17 =	sshll.u32 s0, $0xA;
	s1 =	sadd.s32 s2, s1  }
0x5: {  	s1 =	sadd.s32 s1, s17  }
0x6: {  	[smem:$0x3FC6] =	sst s1  }
0x7: {  	_ = 	snop  }
0x8: {  	(tm) =	ssettm $0x1  }
0x9: {  	s18 =	sld [smem:$0x3FFB];
	_ =	sdelay $0x3  }
0xa: {  	_ =	strace s18  }
0xb: {  	s1 =	sld [smem:$0x3FFC];
	_ =	sdelay $0x3  }
0xc: {  	_ =	strace s1  }
0xd: {  	s1 =	sld [smem:$0x3FFD];
	_ =	sdelay $0x3  }
0xe: {  	_ =	strace s1  }
0xf: {  	_ =	strace $0x8FFFFFFF  }
0x10: {  	s19 =	sld [smem:$0x3FDB];
	_ =	sdelay $0x1  }
0x11: {  	s20 =	simm.s32 $_scs_section_size  }
0x12: {  	s4 =	simm.s32 $_size__tile_overlayer_lowered;
	s5 =	simm.s32 $_tile_overlayer_lowered  }
0x13: {  	s23 =	simm.s32 $0x1BFF;
	s22 =	sshll.u32 s5, $0x1;
	s1 =	sadd.s32 s20, s19  }
0x14: {  	s6 =	simm.s32 $0x0;
	s21 =	sshll.u32 s4, $0x1;
	s4 =	sadd.s32 s22, s1  }
0x15: {  	[timem:s6], [sflag:s23] =	dma.local [hbm:s4], s21  }
0x16: {  	_ =	swait.ge [sflag:s23], s21  }
0x17: {  	s2 =	ssub.s32 $0x0, s21;
	[sflag:s23] =	ssyncset.done $0x0  }
0x18: {  	[sflag:s23] =	ssyncadd.s32 s2;
	_ =	sdelay $0x1  }
0x19: {  	s24 =	simm.s32 $0x1B8B  }
0x1a: {  	_ =	swait.ge [sflag:s24], $0x1  }
0x1b: {  	[sflag:s24] =	ssyncset.done $0x0  }
0x1c: {  	s26 =	simm.s32 $0x1B8E;
	s25 =	sld [smem:$0x3FFE];
	[sflag:s24] =	ssyncadd.s32 $0xFFFFFFFF  }
0x1d: {  	s27 =	simm.s32 $execute0_lowered;
	[smem:$0x3FD2] =	sst s26  }
0x1e: {  	s4 =	sshll.u32 s27, $0x1;
	_ =	strace $0x80000046;
	[dreg:$0x1] =	wrdreg $0xFFFFFFFF  }
0x1f: {  	s28 =	simm.s32 $_size_execute0_lowered;
	s1 =	sadd.s32 s1, s4;
	[dreg:$0x0] =	wrdreg $0x0  }
0x20: {  	s4 =	sshll.u32 s28, $0x1;
	[dreg:$0x2] =	wrdreg s1  }
0x21: {  	[dreg:$0x3] =	wrdreg s4  }
0x22: {  	[dreg:$0x4] =	wrdreg $0xC0  }
0x23: {  	_ =	task [dreg:s6], $0x5FFFF  }
0x24: {  	[dreg:$0x1] =	wrdreg $0xFFFFFFFF  }
0x25: {  	[dreg:$0x0] =	wrdreg $0x60  }
0x26: {  	[dreg:$0x2] =	wrdreg s25  }
0x27: {  	[dreg:$0x3] =	wrdreg $0x9  }
0x28: {  	_ =	task.clear_ibuf [dreg:s6], $0x4FFFF;
	_ =	strace $0x90000046  }
0x29: {  	s29 =	simm.s32 $0x9;
	_ =	strace $0x80000048  }
0x2a: {  	_ =	swait.ge [sflag:s29], $0x1  }
0x2b: {  	[sflag:s29] =	ssyncadd.s32 $0xFFFFFFFF  }
0x2c: {  	_ =	strace $0x90000048  }
0x2d: {  	_ =	sfence  }
0x2e: {  	s30 =	sld [smem:$0x0];
	_ =	sdelay $0x2  }
0x2f: {  	s31 =	sshll.u32 s3, $0xD;
	s3 =	sshrl.u32 s3, $0x2  }
0x30: {  	s2 =	sand.u32 $0x4000, s31;
	s1 =	sadd.s32 s3, s30  }
0x31: {  	s0 =	sor.u32 s2, s0;
	s1 =	sshll.u32 s1, $0x11  }
0x32: {  	s0 =	sor.u32 s1, s0  }
0x33: {  	s0 =	sadd.s32 $0x8F2B, s0  }
0x34: {  	[sflag:s0] =	ssyncadd.remote.s32 $0x1  }
0x35: {  	_ =	sfence.sel $0xFFFF  }
0x36: {  	[dreg:$0x0] =	wrdreg $0xFFFFFFFF;
	(pc) =	sbr.abs _section_cstart, $3  }
0x37: {  	[dreg:$0x1] =	wrdreg $0xFFFFFFFF  }
0x38: {  	_ =	task.clear_ibuf [dreg:s6], $0x2FFFF;
	_ =	strace $0x9FFFFFFF  }
0x39: {  	(tm) =	ssettm $0x7FFFFFFF  }
tec
execute0_lowered:
.L_overlay_start_1:
0x0: {  	(tag) =	ssettag $0x1  }
0x1: {  	s1 =	rddreg [dreg:$0x0]  }
0x2: {  	s0 =	rddreg [dreg:$0x1]  }
0x3: {  	_ =	strace $0x80000047;
	s4 =	srdreg.scid;
	s6 =	simm.s32 $0x2  }
.Ltmp0:
0x4: {  	p0 =	por $0x0, $0x0;
	s9 =	simm.s32 $0x0;
	(pc) =	sbr.rel .LBB1_1-.Ltmp0, $4  }
0x5: {  	s2 =	sadd.s32 $0xC00, s1;
	s3 =	sadd.s32 $0x100C00, s1;
	s5 =	sshll.u32 s4, $0x4  }
0x6: {  	s1 =	stileid.u32;
	s4 =	simm.s32 $0x1;
	s5 =	sand.u32 $0x10, s5  }
0x7: {  	s7 =	simm.s32 $0x0;
	[sflag:s4] =	ssyncpa.u1 $0x0;
	s5 =	sor.u32 s1, s5  }
0x8: {  	[sflag:s6] =	ssyncpa.u1 $0x0;
	s6 =	simm.s32 $0x0;
	s8 =	smov.u32 s5  }
.LBB1_7:
0x9: {  	s11 =	sadd.s32 $0x20, s8  }
0xa: {  	p1 =	slt.u32 s7, $0x2;
	s7 =	sadd.s32 $0x1, s7;
	p2 =	sgt.s32 s11, $0x1FF  }
0xb: {  	s11 =	smov.u32 @p2 s5;
	p2 =	sne.s32 s7, $0x12  }
.Ltmp1:
0xc: {  	_ = 	snop;
	(pc) =	sbr.rel @!p2 .LBB1_8-.Ltmp1, $4  }
0xd: {  	s10 =	simm.s32 @!p1 $0x2  }
0xe: {  	_ =	swait.ge @!p1 [sflag:s10], $0x4000  }
0xf: {  	s9 =	smov.u32 s8;
	[sflag:s10] =	ssyncset.done @!p1 $0x0  }
0x10: {  	p0 =	por !p0, !p0;
	s8 =	smov.u32 s11;
	[sflag:s10] =	ssyncadd.s32 @!p1 $0xFFFFC000  }
.LBB1_1:
0x11: {  	p1 =	sgt.u32 s7, $0xF  }
0x12: {  	s10 =	sxor.u32 @!p1 $0xFFFFFFFF, s7  }
0x13: {  	s11 =	sshll.u32 @!p1 s8, $0xB;
	s10 =	sshll.u32 @!p1 s10, $0xE  }
0x14: {  	s12 =	simm.s32 @!p1 $0x0;
	s11 =	sadd.s32 @!p1 s2, s11;
	s10 =	sand.u32 @!p1 $0x4000, s10  }
0x15: {  	[tilespmem:s10], [sflag:$0x1] =	stream.linear.gather @!p1 [hbm4b:s11+s12], $0x4000, $0x38;
	[tilespmem:$0x10000] =	vst v63  }
0x16: {  	p1 =	seq.s32 s7, $0x0  }
0x17: {  	p2 =	seq.s32 @!p1 s7, $0x11  }
0x18: {  	p1 =	por p1, p2  }
.Ltmp2:
0x19: {  	_ = 	snop;
	(pc) =	sbr.rel @p1 .LBB1_7-.Ltmp2, $1  }
0x1a: {  	_ =	sdelay $0x3  }
0x1b: {  	s10 =	simm.s32 $0x1;
	_ =	swait.ge [sflag:s4], $0x4000;
	s12 =	sshll.u32 s7, $0xE  }
0x1c: {  	s13 =	simm.s32 $0x0;
	s10 =	simm.s32 @!p0 $0x0;
	[sflag:s4] =	ssyncset.done $0x0  }
0x1d: {  	s12 =	sand.u32 $0x4000, s12;
	s11 =	sshll.u32 s10, $0xE;
	[sflag:s4] =	ssyncadd.s32 $0xFFFFC000  }
0x1e: {  	s12 =	sor.u32 $0x8000, s12;
	s10 =	sor.u32 $0x8040, s11;
	s11 =	sor.u32 $0x40, s11  }
.LBB1_3:
0x1f: {  	v0 =	vmov s11;
	_ =	sdelay $0x3  }
0x20: {  	s15 =	simm.s32 $0x0  }
0x21: {  	v6 =	vld.idx.msk [tilespmem:v0+s15+$0x30 ss:$0x1], $0xffff  }
0x22: {  	v7 =	vld.idx.msk [tilespmem:v0+s15+$0xFFFFFFC0 ss:$0x1], $0xffff  }
0x23: {  	v5 =	vld.idx.msk [tilespmem:v0+s15+$0xFFFFFFD0 ss:$0x1], $0xffff  }
0x24: {  	v4 =	vld.idx.msk [tilespmem:v0+s15+$0xFFFFFFE0 ss:$0x1], $0xffff  }
0x25: {  	v3 =	vld.idx.msk [tilespmem:v0+s15+$0xFFFFFFF0 ss:$0x1], $0xffff  }
0x26: {  	v1 =	vld.idx.msk [tilespmem:v0+s15+$0x0 ss:$0x1], $0xffff  }
0x27: {  	v2 =	vld.idx.msk [tilespmem:v0+s15+$0x10 ss:$0x1], $0xffff;
	[tilespmem:s10+$0x30] =	vst v6  }
0x28: {  	s14 =	simm.s32 $0x80;
	s16 =	simm.s32 $0x400;
	[tilespmem:s10+$0xFFFFFFC0] =	vst v7;
	v6 =	vld.idx.msk [tilespmem:v0+s15+$0x20 ss:$0x1], $0xffff;
	s15 =	smov.u32 s10  }
.LBB1_4:
0x29: {  	p1 =	sne.s32 s16, $0xE00;
	v7 =	vld.idx.msk [tilespmem:v0+s14+$0x30 ss:$0x1], $0xffff;
	[tilespmem:s15+$0xFFFFFFD0] =	vst v5  }
0x2a: {  	v8 =	vld.idx.msk [tilespmem:v0+s14+$0xFFFFFFC0 ss:$0x1], $0xffff;
	[tilespmem:s15+$0xFFFFFFE0] =	vst v4  }
0x2b: {  	v5 =	vld.idx.msk [tilespmem:v0+s14+$0xFFFFFFD0 ss:$0x1], $0xffff;
	[tilespmem:s15+$0xFFFFFFF0] =	vst v3  }
.Ltmp3:
0x2c: {  	v4 =	vld.idx.msk [tilespmem:v0+s14+$0xFFFFFFE0 ss:$0x1], $0xffff;
	[tilespmem:s15+$0x0] =	vst v1;
	(pc) =	sbr.rel @p1 .LBB1_4-.Ltmp3, $4  }
0x2d: {  	v3 =	vld.idx.msk [tilespmem:v0+s14+$0xFFFFFFF0 ss:$0x1], $0xffff;
	[tilespmem:s15+$0x10] =	vst v2  }
0x2e: {  	v1 =	vld.idx.msk [tilespmem:v0+s14+$0x0 ss:$0x1], $0xffff;
	[tilespmem:s15+$0x20] =	vst v6;
	s15 =	sadd.s32 $0x800, s15  }
0x2f: {  	v2 =	vld.idx.msk [tilespmem:v0+s14+$0x10 ss:$0x1], $0xffff;
	[tilespmem:s15+$0x30] =	vst v7  }
0x30: {  	[tilespmem:s15+$0xFFFFFFC0] =	vst v8;
	v6 =	vld.idx.msk [tilespmem:v0+s14+$0x20 ss:$0x1], $0xffff;
	s14 =	sshra.s32 s16, $0x2;
	s16 =	sadd.s32 $0x200, s16  }
0x31: {  	_ =	sdelay $0x2  }
0x32: {  	[tilespmem:s15+$0xFFFFFFD0] =	vst v5  }
0x33: {  	v56 =	vld.idx.msk [tilespmem:v0+s14+$0x30 ss:$0x1], $0xffff;
	[tilespmem:s15+$0xFFFFFFE0] =	vst v4  }
0x34: {  	v57 =	vld.idx.msk [tilespmem:v0+s14+$0xFFFFFFC0 ss:$0x1], $0xffff;
	[tilespmem:s15+$0xFFFFFFF0] =	vst v3  }
0x35: {  	v58 =	vld.idx.msk [tilespmem:v0+s14+$0xFFFFFFD0 ss:$0x1], $0xffff;
	[tilespmem:s15+$0x0] =	vst v1  }
0x36: {  	v59 =	vld.idx.msk [tilespmem:v0+s14+$0xFFFFFFE0 ss:$0x1], $0xffff;
	[tilespmem:s15+$0x10] =	vst v2  }
0x37: {  	v60 =	vld.idx.msk [tilespmem:v0+s14+$0xFFFFFFF0 ss:$0x1], $0xffff;
	s31 =	sadd.s32 $0x800, s15;
	[tilespmem:s15+$0x20] =	vst v6  }
0x38: {  	v61 =	vld.idx.msk [tilespmem:v0+s14+$0x0 ss:$0x1], $0xffff;
	[tilespmem:s31+$0x30] =	vst v56  }
0x39: {  	v62 =	vld.idx.msk [tilespmem:v0+s14+$0x10 ss:$0x1], $0xffff;
	s13 =	sadd.s32 $0x1, s13;
	[tilespmem:s31+$0xFFFFFFC0] =	vst v57  }
0x3a: {  	v63 =	vld.idx.msk [tilespmem:v0+s14+$0x20 ss:$0x1], $0xffff;
	p1 =	sne.s32 s13, $0x10;
	[tilespmem:s31+$0xFFFFFFD0] =	vst v58  }
.Ltmp4:
0x3b: {  	[tilespmem:s31+$0xFFFFFFE0] =	vst v59;
	(pc) =	sbr.rel @p1 .LBB1_3-.Ltmp4, $4  }
0x3c: {  	[tilespmem:s31+$0xFFFFFFF0] =	vst v60  }
0x3d: {  	[tilespmem:s31+$0x0] =	vst v61  }
0x3e: {  	[tilespmem:s31+$0x10] =	vst v62  }
0x3f: {  	s10 =	sadd.s32 $0x80, s10;
	s11 =	sadd.s32 $0x400, s11;
	[tilespmem:s31+$0x20] =	vst v63  }
.Ltmp5:
0x40: {  	(pc) =	sbr.rel .LBB1_7-.Ltmp5, $4  }
0x41: {  	_ = 	snop  }
0x42: {  	s9 =	sshll.u32 s9, $0xB  }
0x43: {  	s9 =	sadd.s32 s3, s9  }
0x44: {  	[hbm4b:s9+s6] =	stream.linear.scatter [tilespmem:s12], [sflag:$0x2], $0x4000, $0x38;
	[tilespmem:$0x10000] =	vst v63  }
.LBB1_8:
0x45: {  	_ =	sfence.sel $0x180000  }
0x46: {  	s2 =	simm.s32 $0x1;
	[bflag:$0x0] =	sbarrier.arrive $0xFFFF  }
0x47: {  	s31 =	simm.s32 $0x2;
	[sflag:s2] =	ssyncpa.u1 $0x1  }
0x48: {  	[sflag:s31] =	ssyncpa.u1 $0x1  }
0x49: {  	p0 =	sne.s32 s1, $0x0;
	_ =	strace $0x90000047  }
0x4a: {  	s0 =	sadd.s32 @!p0 $0x100000, s0;
	[bflag:$0x2] =	sbarrier.arrive $0xFFFF  }
0x4b: {  	[sflag:s0] =	ssyncadd.tile.s32 @!p0 $0x1;
	_ =	shalt  }
.Lfunc_end1:
_tile_overlayer_lowered:
.L_overlay_start_2:
0x4c: {  	(tag) =	ssettag $0x2  }
0x4d: {  	s0 =	rddreg [dreg:$0x0];
	s2 =	stileid.u32  }
0x4e: {  	s1 =	rddreg [dreg:$0x1];
	p0 =	sne.s32 s2, $0x0  }
0x4f: {  	s3 =	rddreg [dreg:$0x2];
	[bflag:$0x3] =	sbarrier.arrive $0xFFFF;
	s2 =	simm.s32 @!p0 $0x1C01  }
0x50: {  	[timem:s3], [sflag:s2] =	dma.local @!p0 [hbm:s0], s1  }
0x51: {  	s0 =	simm.s32 @!p0 $0x1  }
0x52: {  	_ =	swait.ge @!p0 [sflag:s0], s1  }
0x53: {  	s1 =	ssub.s32 @!p0 $0x0, s1;
	[sflag:s0] =	ssyncset.done @!p0 $0x0  }
0x54: {  	[sflag:s0] =	ssyncadd.s32 @!p0 s1  }
0x55: {  	[bflag:$0x3] =	sbarrier.arrive $0xFFFF  }
0x56: {  	_ =	shalt  }

</sc_bundles>
